<compile_context>
chip_gen: v7x
topology: tpu7x:2x2x1
jax: 0.10.2.dev20260603
libtpu: 0.0.44.dev20260713+nightly
codegen_flags: <defaults>
</compile_context>

<pallas_src>
import functools

import jax
import jax.numpy as jnp
from jax import lax
from jax.experimental import pallas as pl
from jax.experimental.pallas import tpu as pltpu
from jax.experimental.pallas import tpu_sc as plsc

N_LAYERS = 100000
CODE_DIM = 64
BATCH = 16384

NC = 2
NS = 16
NW = NC * NS
N_PASSES = CODE_DIM // NW
OCHUNK = 4096
N_OCHUNKS = BATCH // OCHUNK

_mesh = plsc.VectorSubcoreMesh(core_axis_name="c", subcore_axis_name="s")


@functools.partial(
    pl.kernel,
    mesh=_mesh,
    out_type=jax.ShapeDtypeStruct((CODE_DIM, BATCH), jnp.float32),
    scratch_types=[
        pltpu.VMEM((N_LAYERS,), jnp.float32),
        pltpu.VMEM((BATCH,), jnp.int32),
        pltpu.VMEM((OCHUNK,), jnp.float32),
        pltpu.VMEM((OCHUNK,), jnp.float32),
        pltpu.SemaphoreType.DMA,
        pltpu.SemaphoreType.DMA,
    ],
    compiler_params=pltpu.CompilerParams(needs_layout_passes=False),
)
def _gather_kernel(codes_t_hbm, idx_hbm, out_t_hbm, row_v, idx_v, out_a, out_b,
                   rsem, wsem):
    wid = lax.axis_index("s") * NC + lax.axis_index("c")
    obufs = (out_a, out_b)
    drain_src = codes_t_hbm.at[0, pl.ds(0, OCHUNK)]

    idx_cp = pltpu.async_copy(idx_hbm, idx_v, rsem)
    row_cp = pltpu.async_copy(codes_t_hbm.at[wid], row_v, rsem)
    idx_cp.wait()
    row_cp.wait()

    for p in range(N_PASSES):
        f = wid + p * NW
        if p > 0:
            pltpu.sync_copy(codes_t_hbm.at[f], row_v)
        for q in range(N_OCHUNKS):
            k = p * N_OCHUNKS + q
            ob = obufs[k % 2]
            if k >= 2:
                pltpu.make_async_copy(drain_src, ob, wsem).wait()

            def gather(g, _, q=q, ob=ob):
                j = q * OCHUNK + g * 64
                vs = [idx_v[pl.ds(j + 16 * m, 16)] for m in range(4)]
                rs = [plsc.load_gather(row_v, [v]) for v in vs]
                for m in range(4):
                    ob[pl.ds(g * 64 + 16 * m, 16)] = rs[m]
                return _

            lax.fori_loop(0, OCHUNK // 64, gather, 0)
            pltpu.async_copy(
                ob, out_t_hbm.at[f, pl.ds(q * OCHUNK, OCHUNK)], wsem
            )
    pltpu.make_async_copy(drain_src, out_a, wsem).wait()
    pltpu.make_async_copy(drain_src, out_b, wsem).wait()


def kernel(layer_idx, codes):
    return _gather_kernel(codes.T, layer_idx).T

# --- scband reference (transcript-rebuilt; emitter-appended) ---
"""Pipeline reference for scband-layer-codebook-80994493268384 (READ-ONLY COPY).

The authoritative reference and input builder live on the scoring server;
editing this copy changes nothing except your own understanding.
"""

import jax, jax.numpy as jnp
import numpy as np

N_LAYERS = 100000
CODE_DIM = 64
BATCH = 16384


def setup_inputs(seed: int = 0) -> dict:
    key = jax.random.key(seed)
    k_idx, k_codes = jax.random.split(key)
    layer_idx = jax.random.randint(k_idx, (BATCH,), 0, N_LAYERS, dtype=jnp.int64 if jax.config.jax_enable_x64 else jnp.int32).astype(jnp.int32)
    codes = jax.random.normal(k_codes, (N_LAYERS, CODE_DIM), dtype=jnp.float32) * 0.02
    return {"layer_idx": layer_idx, "codes": codes}


def reference(layer_idx, codes):
    # Faithful translation of LayerCodebook.forward: self.codes[layer_idx]
    return jnp.take(codes, layer_idx, axis=0)

if __name__ == "__main__":
    import jax
    _d = setup_inputs()
    print(jax.jit(kernel)(*tuple(_d.values())))

</pallas_src>

<mosaic_0001>
#map = affine_map<(d0, d1) -> (0, 0)>
#map1 = affine_map<(d0, d1) -> (0)>
module attributes {stable_mosaic.version = 14 : i64} {
  func.func @_gather_kernel(%arg0: i32, %arg1: i32, %arg2: memref<64x100000xf32, #tpu.memory_space<hbm>>, %arg3: memref<16384xi32, #tpu.memory_space<hbm>>, %arg4: memref<64x16384xf32, #tpu.memory_space<hbm>>, %arg5: memref<100000xf32, #tpu.memory_space<vmem>>, %arg6: memref<16384xi32, #tpu.memory_space<vmem>>, %arg7: memref<4096xf32, #tpu.memory_space<vmem>>, %arg8: memref<4096xf32, #tpu.memory_space<vmem>>, %arg9: memref<!tpu.dma_semaphore, #tpu.memory_space<semaphore_mem>>, %arg10: memref<!tpu.dma_semaphore, #tpu.memory_space<semaphore_mem>>) attributes {dimension_semantics = [#tpu.dimension_semantics<core_parallel>, #tpu.dimension_semantics<subcore_parallel>], iteration_bounds = array<i64: 2, 16>, scalar_prefetch = 0 : i64, scratch_operands = 6 : i64, tpu.core_type = #tpu.core_type<sc_vector_subcore>, window_params = [{transform_indices = #map}, {transform_indices = #map1}, {transform_indices = #map}]} {
    %mul3A = arith.constant 2 : i32
    %mul3A_0 = arith.muli %arg1, %mul3A : i32
    %add3A = arith.addi %mul3A_0, %arg0 : i32
    tpu.enqueue_dma source(%arg3 : memref<16384xi32, #tpu.memory_space<hbm>>) target(%arg6 : memref<16384xi32, #tpu.memory_space<vmem>>) target_semaphore(%arg9 : memref<!tpu.dma_semaphore, #tpu.memory_space<semaphore_mem>>)
    %dma_start3A = arith.constant 0 : i32
    %dma_start3A_1 = tpu.memref_slice %arg2[%add3A, %dma_start3A] : memref<64x100000xf32, #tpu.memory_space<hbm>> -> memref<1x100000xf32, #tpu.memory_space<hbm>>
    %dma_start3A_2 = tpu.memref_squeeze %dma_start3A_1 : memref<1x100000xf32, #tpu.memory_space<hbm>> -> memref<100000xf32, #tpu.memory_space<hbm>>
    %dma_start3A_3 = arith.constant 0 : i32
    %dma_start3A_4 = tpu.memref_slice %arg2[%add3A, %dma_start3A_3] : memref<64x100000xf32, #tpu.memory_space<hbm>> -> memref<1x100000xf32, #tpu.memory_space<hbm>>
    %dma_start3A_5 = tpu.memref_squeeze %dma_start3A_4 : memref<1x100000xf32, #tpu.memory_space<hbm>> -> memref<100000xf32, #tpu.memory_space<hbm>>
    tpu.enqueue_dma source(%dma_start3A_5 : memref<100000xf32, #tpu.memory_space<hbm>>) target(%arg5 : memref<100000xf32, #tpu.memory_space<vmem>>) target_semaphore(%arg9 : memref<!tpu.dma_semaphore, #tpu.memory_space<semaphore_mem>>)
    tpu.wait_dma2 semaphore(%arg9 : memref<!tpu.dma_semaphore, #tpu.memory_space<semaphore_mem>>) src(%arg3 : memref<16384xi32, #tpu.memory_space<hbm>>) dst(%arg6 : memref<16384xi32, #tpu.memory_space<vmem>>)
    %dma_wait3A = arith.constant 0 : i32
    %dma_wait3A_6 = tpu.memref_slice %arg2[%add3A, %dma_wait3A] : memref<64x100000xf32, #tpu.memory_space<hbm>> -> memref<1x100000xf32, #tpu.memory_space<hbm>>
    %dma_wait3A_7 = tpu.memref_squeeze %dma_wait3A_6 : memref<1x100000xf32, #tpu.memory_space<hbm>> -> memref<100000xf32, #tpu.memory_space<hbm>>
    %dma_wait3A_8 = arith.constant 0 : i32
    %dma_wait3A_9 = tpu.memref_slice %arg2[%add3A, %dma_wait3A_8] : memref<64x100000xf32, #tpu.memory_space<hbm>> -> memref<1x100000xf32, #tpu.memory_space<hbm>>
    %dma_wait3A_10 = tpu.memref_squeeze %dma_wait3A_9 : memref<1x100000xf32, #tpu.memory_space<hbm>> -> memref<100000xf32, #tpu.memory_space<hbm>>
    tpu.wait_dma2 semaphore(%arg9 : memref<!tpu.dma_semaphore, #tpu.memory_space<semaphore_mem>>) src(%dma_wait3A_10 : memref<100000xf32, #tpu.memory_space<hbm>>) dst(%arg5 : memref<100000xf32, #tpu.memory_space<vmem>>)
    %add3A_11 = arith.constant 0 : i32
    %add3A_12 = arith.addi %add3A, %add3A_11 : i32
    %scan3A = arith.constant 0 : i32
    %scan3A_13 = arith.constant 0 : i32
    %scan3A_14 = arith.constant 64 : i32
    %scan3A_15 = arith.addi %scan3A_13, %scan3A_14 : i32
    %scan3A_16 = arith.constant 1 : i32
    scf.for %scan3A_166 = %scan3A_13 to %scan3A_15 step %scan3A_16  : i32 {
      %mul3A_167 = arith.constant 64 : i32
      %mul3A_168 = arith.muli %scan3A_166, %mul3A_167 : i32
      %add3A_169 = arith.constant 0 : i32
      %add3A_170 = arith.addi %add3A_169, %mul3A_168 : i32
      %add3A_171 = arith.constant 0 : i32
      %add3A_172 = arith.addi %add3A_170, %add3A_171 : i32
      %get3A = arith.index_cast %add3A_172 : i32 to index
      %get3A_173 = tpu.vector_load %arg6[%get3A] {strides = array<i32>} : memref<16384xi32, #tpu.memory_space<vmem>>, vector<16xi32>,
      %add3A_174 = arith.constant 16 : i32
      %add3A_175 = arith.addi %add3A_170, %add3A_174 : i32
      %get3A_176 = arith.index_cast %add3A_175 : i32 to index
      %get3A_177 = tpu.vector_load %arg6[%get3A_176] {strides = array<i32>} : memref<16384xi32, #tpu.memory_space<vmem>>, vector<16xi32>,
      %add3A_178 = arith.constant 32 : i32
      %add3A_179 = arith.addi %add3A_170, %add3A_178 : i32
      %get3A_180 = arith.index_cast %add3A_179 : i32 to index
      %get3A_181 = tpu.vector_load %arg6[%get3A_180] {strides = array<i32>} : memref<16384xi32, #tpu.memory_space<vmem>>, vector<16xi32>,
      %add3A_182 = arith.constant 48 : i32
      %add3A_183 = arith.addi %add3A_170, %add3A_182 : i32
      %get3A_184 = arith.index_cast %add3A_183 : i32 to index
      %get3A_185 = tpu.vector_load %arg6[%get3A_184] {strides = array<i32>} : memref<16384xi32, #tpu.memory_space<vmem>>, vector<16xi32>,
      %gather3A = tpu.vector_load_idx %arg5[%get3A_173] : memref<100000xf32, #tpu.memory_space<vmem>>[vector<16xi32>], vector<16xf32>,
      %gather3A_186 = tpu.vector_load_idx %arg5[%get3A_177] : memref<100000xf32, #tpu.memory_space<vmem>>[vector<16xi32>], vector<16xf32>,
      %gather3A_187 = tpu.vector_load_idx %arg5[%get3A_181] : memref<100000xf32, #tpu.memory_space<vmem>>[vector<16xi32>], vector<16xf32>,
      %gather3A_188 = tpu.vector_load_idx %arg5[%get3A_185] : memref<100000xf32, #tpu.memory_space<vmem>>[vector<16xi32>], vector<16xf32>,
      %mul3A_189 = arith.constant 64 : i32
      %mul3A_190 = arith.muli %scan3A_166, %mul3A_189 : i32
      %add3A_191 = arith.constant 0 : i32
      %add3A_192 = arith.addi %mul3A_190, %add3A_191 : i32
      %swap3A = arith.index_cast %add3A_192 : i32 to index
      %swap3A_193 = tpu.vector_load %arg7[%swap3A] {strides = array<i32>} : memref<4096xf32, #tpu.memory_space<vmem>>, vector<16xf32>,
      tpu.vector_store %arg7[%swap3A], %gather3A {strides = array<i32>} : memref<4096xf32, #tpu.memory_space<vmem>>, vector<16xf32>,
      %mul3A_194 = arith.constant 64 : i32
      %mul3A_195 = arith.muli %scan3A_166, %mul3A_194 : i32
      %add3A_196 = arith.constant 16 : i32
      %add3A_197 = arith.addi %mul3A_195, %add3A_196 : i32
      %swap3A_198 = arith.index_cast %add3A_197 : i32 to index
      %swap3A_199 = tpu.vector_load %arg7[%swap3A_198] {strides = array<i32>} : memref<4096xf32, #tpu.memory_space<vmem>>, vector<16xf32>,
      tpu.vector_store %arg7[%swap3A_198], %gather3A_186 {strides = array<i32>} : memref<4096xf32, #tpu.memory_space<vmem>>, vector<16xf32>,
      %mul3A_200 = arith.constant 64 : i32
      %mul3A_201 = arith.muli %scan3A_166, %mul3A_200 : i32
      %add3A_202 = arith.constant 32 : i32
      %add3A_203 = arith.addi %mul3A_201, %add3A_202 : i32
      %swap3A_204 = arith.index_cast %add3A_203 : i32 to index
      %swap3A_205 = tpu.vector_load %arg7[%swap3A_204] {strides = array<i32>} : memref<4096xf32, #tpu.memory_space<vmem>>, vector<16xf32>,
      tpu.vector_store %arg7[%swap3A_204], %gather3A_187 {strides = array<i32>} : memref<4096xf32, #tpu.memory_space<vmem>>, vector<16xf32>,
      %mul3A_206 = arith.constant 64 : i32
      %mul3A_207 = arith.muli %scan3A_166, %mul3A_206 : i32
      %add3A_208 = arith.constant 48 : i32
      %add3A_209 = arith.addi %mul3A_207, %add3A_208 : i32
      %swap3A_210 = arith.index_cast %add3A_209 : i32 to index
      %swap3A_211 = tpu.vector_load %arg7[%swap3A_210] {strides = array<i32>} : memref<4096xf32, #tpu.memory_space<vmem>>, vector<16xf32>,
      tpu.vector_store %arg7[%swap3A_210], %gather3A_188 {strides = array<i32>} : memref<4096xf32, #tpu.memory_space<vmem>>, vector<16xf32>,
    }
    %scan3A_17 = arith.constant 64 : i32
    %dma_start3A_18 = arith.constant 0 : i32
    %dma_start3A_19 = tpu.memref_slice %arg4[%add3A_12, %dma_start3A_18] : memref<64x16384xf32, #tpu.memory_space<hbm>> -> memref<1x4096xf32, #tpu.memory_space<hbm>>
    %dma_start3A_20 = tpu.memref_squeeze %dma_start3A_19 : memref<1x4096xf32, #tpu.memory_space<hbm>> -> memref<4096xf32, #tpu.memory_space<hbm>>
    %dma_start3A_21 = arith.constant 0 : i32
    %dma_start3A_22 = tpu.memref_slice %arg4[%add3A_12, %dma_start3A_21] : memref<64x16384xf32, #tpu.memory_space<hbm>> -> memref<1x4096xf32, #tpu.memory_space<hbm>>
    %dma_start3A_23 = tpu.memref_squeeze %dma_start3A_22 : memref<1x4096xf32, #tpu.memory_space<hbm>> -> memref<4096xf32, #tpu.memory_space<hbm>>
    tpu.enqueue_dma source(%arg7 : memref<4096xf32, #tpu.memory_space<vmem>>) target(%dma_start3A_23 : memref<4096xf32, #tpu.memory_space<hbm>>) target_semaphore(%arg10 : memref<!tpu.dma_semaphore, #tpu.memory_space<semaphore_mem>>)
    %scan3A_24 = arith.constant 0 : i32
    %scan3A_25 = arith.constant 0 : i32
    %scan3A_26 = arith.constant 64 : i32
    %scan3A_27 = arith.addi %scan3A_25, %scan3A_26 : i32
    %scan3A_28 = arith.constant 1 : i32
    scf.for %scan3A_166 = %scan3A_25 to %scan3A_27 step %scan3A_28  : i32 {
      %mul3A_167 = arith.constant 64 : i32
      %mul3A_168 = arith.muli %scan3A_166, %mul3A_167 : i32
      %add3A_169 = arith.constant 4096 : i32
      %add3A_170 = arith.addi %add3A_169, %mul3A_168 : i32
      %add3A_171 = arith.constant 0 : i32
      %add3A_172 = arith.addi %add3A_170, %add3A_171 : i32
      %get3A = arith.index_cast %add3A_172 : i32 to index
      %get3A_173 = tpu.vector_load %arg6[%get3A] {strides = array<i32>} : memref<16384xi32, #tpu.memory_space<vmem>>, vector<16xi32>,
      %add3A_174 = arith.constant 16 : i32
      %add3A_175 = arith.addi %add3A_170, %add3A_174 : i32
      %get3A_176 = arith.index_cast %add3A_175 : i32 to index
      %get3A_177 = tpu.vector_load %arg6[%get3A_176] {strides = array<i32>} : memref<16384xi32, #tpu.memory_space<vmem>>, vector<16xi32>,
      %add3A_178 = arith.constant 32 : i32
      %add3A_179 = arith.addi %add3A_170, %add3A_178 : i32
      %get3A_180 = arith.index_cast %add3A_179 : i32 to index
      %get3A_181 = tpu.vector_load %arg6[%get3A_180] {strides = array<i32>} : memref<16384xi32, #tpu.memory_space<vmem>>, vector<16xi32>,
      %add3A_182 = arith.constant 48 : i32
      %add3A_183 = arith.addi %add3A_170, %add3A_182 : i32
      %get3A_184 = arith.index_cast %add3A_183 : i32 to index
      %get3A_185 = tpu.vector_load %arg6[%get3A_184] {strides = array<i32>} : memref<16384xi32, #tpu.memory_space<vmem>>, vector<16xi32>,
      %gather3A = tpu.vector_load_idx %arg5[%get3A_173] : memref<100000xf32, #tpu.memory_space<vmem>>[vector<16xi32>], vector<16xf32>,
      %gather3A_186 = tpu.vector_load_idx %arg5[%get3A_177] : memref<100000xf32, #tpu.memory_space<vmem>>[vector<16xi32>], vector<16xf32>,
      %gather3A_187 = tpu.vector_load_idx %arg5[%get3A_181] : memref<100000xf32, #tpu.memory_space<vmem>>[vector<16xi32>], vector<16xf32>,
      %gather3A_188 = tpu.vector_load_idx %arg5[%get3A_185] : memref<100000xf32, #tpu.memory_space<vmem>>[vector<16xi32>], vector<16xf32>,
      %mul3A_189 = arith.constant 64 : i32
      %mul3A_190 = arith.muli %scan3A_166, %mul3A_189 : i32
      %add3A_191 = arith.constant 0 : i32
      %add3A_192 = arith.addi %mul3A_190, %add3A_191 : i32
      %swap3A = arith.index_cast %add3A_192 : i32 to index
      %swap3A_193 = tpu.vector_load %arg8[%swap3A] {strides = array<i32>} : memref<4096xf32, #tpu.memory_space<vmem>>, vector<16xf32>,
      tpu.vector_store %arg8[%swap3A], %gather3A {strides = array<i32>} : memref<4096xf32, #tpu.memory_space<vmem>>, vector<16xf32>,
      %mul3A_194 = arith.constant 64 : i32
      %mul3A_195 = arith.muli %scan3A_166, %mul3A_194 : i32
      %add3A_196 = arith.constant 16 : i32
      %add3A_197 = arith.addi %mul3A_195, %add3A_196 : i32
      %swap3A_198 = arith.index_cast %add3A_197 : i32 to index
      %swap3A_199 = tpu.vector_load %arg8[%swap3A_198] {strides = array<i32>} : memref<4096xf32, #tpu.memory_space<vmem>>, vector<16xf32>,
      tpu.vector_store %arg8[%swap3A_198], %gather3A_186 {strides = array<i32>} : memref<4096xf32, #tpu.memory_space<vmem>>, vector<16xf32>,
      %mul3A_200 = arith.constant 64 : i32
      %mul3A_201 = arith.muli %scan3A_166, %mul3A_200 : i32
      %add3A_202 = arith.constant 32 : i32
      %add3A_203 = arith.addi %mul3A_201, %add3A_202 : i32
      %swap3A_204 = arith.index_cast %add3A_203 : i32 to index
      %swap3A_205 = tpu.vector_load %arg8[%swap3A_204] {strides = array<i32>} : memref<4096xf32, #tpu.memory_space<vmem>>, vector<16xf32>,
      tpu.vector_store %arg8[%swap3A_204], %gather3A_187 {strides = array<i32>} : memref<4096xf32, #tpu.memory_space<vmem>>, vector<16xf32>,
      %mul3A_206 = arith.constant 64 : i32
      %mul3A_207 = arith.muli %scan3A_166, %mul3A_206 : i32
      %add3A_208 = arith.constant 48 : i32
      %add3A_209 = arith.addi %mul3A_207, %add3A_208 : i32
      %swap3A_210 = arith.index_cast %add3A_209 : i32 to index
      %swap3A_211 = tpu.vector_load %arg8[%swap3A_210] {strides = array<i32>} : memref<4096xf32, #tpu.memory_space<vmem>>, vector<16xf32>,
      tpu.vector_store %arg8[%swap3A_210], %gather3A_188 {strides = array<i32>} : memref<4096xf32, #tpu.memory_space<vmem>>, vector<16xf32>,
    }
    %scan3A_29 = arith.constant 64 : i32
    %dma_start3A_30 = arith.constant 4096 : i32
    %dma_start3A_31 = tpu.memref_slice %arg4[%add3A_12, %dma_start3A_30] : memref<64x16384xf32, #tpu.memory_space<hbm>> -> memref<1x4096xf32, #tpu.memory_space<hbm>>
    %dma_start3A_32 = tpu.memref_squeeze %dma_start3A_31 : memref<1x4096xf32, #tpu.memory_space<hbm>> -> memref<4096xf32, #tpu.memory_space<hbm>>
    %dma_start3A_33 = arith.constant 4096 : i32
    %dma_start3A_34 = tpu.memref_slice %arg4[%add3A_12, %dma_start3A_33] : memref<64x16384xf32, #tpu.memory_space<hbm>> -> memref<1x4096xf32, #tpu.memory_space<hbm>>
    %dma_start3A_35 = tpu.memref_squeeze %dma_start3A_34 : memref<1x4096xf32, #tpu.memory_space<hbm>> -> memref<4096xf32, #tpu.memory_space<hbm>>
    tpu.enqueue_dma source(%arg8 : memref<4096xf32, #tpu.memory_space<vmem>>) target(%dma_start3A_35 : memref<4096xf32, #tpu.memory_space<hbm>>) target_semaphore(%arg10 : memref<!tpu.dma_semaphore, #tpu.memory_space<semaphore_mem>>)
    %dma_wait3A_36 = arith.constant 0 : i32
    %dma_wait3A_37 = arith.constant 0 : i32
    %dma_wait3A_38 = tpu.memref_slice %arg2[%dma_wait3A_36, %dma_wait3A_37] : memref<64x100000xf32, #tpu.memory_space<hbm>> -> memref<1x4096xf32, #tpu.memory_space<hbm>>
    %dma_wait3A_39 = tpu.memref_squeeze %dma_wait3A_38 : memref<1x4096xf32, #tpu.memory_space<hbm>> -> memref<4096xf32, #tpu.memory_space<hbm>>
    %dma_wait3A_40 = arith.constant 0 : i32
    %dma_wait3A_41 = tpu.memref_slice %arg2[%dma_wait3A_36, %dma_wait3A_40] : memref<64x100000xf32, #tpu.memory_space<hbm>> -> memref<1x4096xf32, #tpu.memory_space<hbm>>
    %dma_wait3A_42 = tpu.memref_squeeze %dma_wait3A_41 : memref<1x4096xf32, #tpu.memory_space<hbm>> -> memref<4096xf32, #tpu.memory_space<hbm>>
    tpu.wait_dma2 semaphore(%arg10 : memref<!tpu.dma_semaphore, #tpu.memory_space<semaphore_mem>>) src(%dma_wait3A_42 : memref<4096xf32, #tpu.memory_space<hbm>>) dst(%arg7 : memref<4096xf32, #tpu.memory_space<vmem>>)
    %scan3A_43 = arith.constant 0 : i32
    %scan3A_44 = arith.constant 0 : i32
    %scan3A_45 = arith.constant 64 : i32
    %scan3A_46 = arith.addi %scan3A_44, %scan3A_45 : i32
    %scan3A_47 = arith.constant 1 : i32
    scf.for %scan3A_166 = %scan3A_44 to %scan3A_46 step %scan3A_47  : i32 {
      %mul3A_167 = arith.constant 64 : i32
      %mul3A_168 = arith.muli %scan3A_166, %mul3A_167 : i32
      %add3A_169 = arith.constant 8192 : i32
      %add3A_170 = arith.addi %add3A_169, %mul3A_168 : i32
      %add3A_171 = arith.constant 0 : i32
      %add3A_172 = arith.addi %add3A_170, %add3A_171 : i32
      %get3A = arith.index_cast %add3A_172 : i32 to index
      %get3A_173 = tpu.vector_load %arg6[%get3A] {strides = array<i32>} : memref<16384xi32, #tpu.memory_space<vmem>>, vector<16xi32>,
      %add3A_174 = arith.constant 16 : i32
      %add3A_175 = arith.addi %add3A_170, %add3A_174 : i32
      %get3A_176 = arith.index_cast %add3A_175 : i32 to index
      %get3A_177 = tpu.vector_load %arg6[%get3A_176] {strides = array<i32>} : memref<16384xi32, #tpu.memory_space<vmem>>, vector<16xi32>,
      %add3A_178 = arith.constant 32 : i32
      %add3A_179 = arith.addi %add3A_170, %add3A_178 : i32
      %get3A_180 = arith.index_cast %add3A_179 : i32 to index
      %get3A_181 = tpu.vector_load %arg6[%get3A_180] {strides = array<i32>} : memref<16384xi32, #tpu.memory_space<vmem>>, vector<16xi32>,
      %add3A_182 = arith.constant 48 : i32
      %add3A_183 = arith.addi %add3A_170, %add3A_182 : i32
      %get3A_184 = arith.index_cast %add3A_183 : i32 to index
      %get3A_185 = tpu.vector_load %arg6[%get3A_184] {strides = array<i32>} : memref<16384xi32, #tpu.memory_space<vmem>>, vector<16xi32>,
      %gather3A = tpu.vector_load_idx %arg5[%get3A_173] : memref<100000xf32, #tpu.memory_space<vmem>>[vector<16xi32>], vector<16xf32>,
      %gather3A_186 = tpu.vector_load_idx %arg5[%get3A_177] : memref<100000xf32, #tpu.memory_space<vmem>>[vector<16xi32>], vector<16xf32>,
      %gather3A_187 = tpu.vector_load_idx %arg5[%get3A_181] : memref<100000xf32, #tpu.memory_space<vmem>>[vector<16xi32>], vector<16xf32>,
      %gather3A_188 = tpu.vector_load_idx %arg5[%get3A_185] : memref<100000xf32, #tpu.memory_space<vmem>>[vector<16xi32>], vector<16xf32>,
      %mul3A_189 = arith.constant 64 : i32
      %mul3A_190 = arith.muli %scan3A_166, %mul3A_189 : i32
      %add3A_191 = arith.constant 0 : i32
      %add3A_192 = arith.addi %mul3A_190, %add3A_191 : i32
      %swap3A = arith.index_cast %add3A_192 : i32 to index
      %swap3A_193 = tpu.vector_load %arg7[%swap3A] {strides = array<i32>} : memref<4096xf32, #tpu.memory_space<vmem>>, vector<16xf32>,
      tpu.vector_store %arg7[%swap3A], %gather3A {strides = array<i32>} : memref<4096xf32, #tpu.memory_space<vmem>>, vector<16xf32>,
      %mul3A_194 = arith.constant 64 : i32
      %mul3A_195 = arith.muli %scan3A_166, %mul3A_194 : i32
      %add3A_196 = arith.constant 16 : i32
      %add3A_197 = arith.addi %mul3A_195, %add3A_196 : i32
      %swap3A_198 = arith.index_cast %add3A_197 : i32 to index
      %swap3A_199 = tpu.vector_load %arg7[%swap3A_198] {strides = array<i32>} : memref<4096xf32, #tpu.memory_space<vmem>>, vector<16xf32>,
      tpu.vector_store %arg7[%swap3A_198], %gather3A_186 {strides = array<i32>} : memref<4096xf32, #tpu.memory_space<vmem>>, vector<16xf32>,
      %mul3A_200 = arith.constant 64 : i32
      %mul3A_201 = arith.muli %scan3A_166, %mul3A_200 : i32
      %add3A_202 = arith.constant 32 : i32
      %add3A_203 = arith.addi %mul3A_201, %add3A_202 : i32
      %swap3A_204 = arith.index_cast %add3A_203 : i32 to index
      %swap3A_205 = tpu.vector_load %arg7[%swap3A_204] {strides = array<i32>} : memref<4096xf32, #tpu.memory_space<vmem>>, vector<16xf32>,
      tpu.vector_store %arg7[%swap3A_204], %gather3A_187 {strides = array<i32>} : memref<4096xf32, #tpu.memory_space<vmem>>, vector<16xf32>,
      %mul3A_206 = arith.constant 64 : i32
      %mul3A_207 = arith.muli %scan3A_166, %mul3A_206 : i32
      %add3A_208 = arith.constant 48 : i32
      %add3A_209 = arith.addi %mul3A_207, %add3A_208 : i32
      %swap3A_210 = arith.index_cast %add3A_209 : i32 to index
      %swap3A_211 = tpu.vector_load %arg7[%swap3A_210] {strides = array<i32>} : memref<4096xf32, #tpu.memory_space<vmem>>, vector<16xf32>,
      tpu.vector_store %arg7[%swap3A_210], %gather3A_188 {strides = array<i32>} : memref<4096xf32, #tpu.memory_space<vmem>>, vector<16xf32>,
    }
    %scan3A_48 = arith.constant 64 : i32
    %dma_start3A_49 = arith.constant 8192 : i32
    %dma_start3A_50 = tpu.memref_slice %arg4[%add3A_12, %dma_start3A_49] : memref<64x16384xf32, #tpu.memory_space<hbm>> -> memref<1x4096xf32, #tpu.memory_space<hbm>>
    %dma_start3A_51 = tpu.memref_squeeze %dma_start3A_50 : memref<1x4096xf32, #tpu.memory_space<hbm>> -> memref<4096xf32, #tpu.memory_space<hbm>>
    %dma_start3A_52 = arith.constant 8192 : i32
    %dma_start3A_53 = tpu.memref_slice %arg4[%add3A_12, %dma_start3A_52] : memref<64x16384xf32, #tpu.memory_space<hbm>> -> memref<1x4096xf32, #tpu.memory_space<hbm>>
    %dma_start3A_54 = tpu.memref_squeeze %dma_start3A_53 : memref<1x4096xf32, #tpu.memory_space<hbm>> -> memref<4096xf32, #tpu.memory_space<hbm>>
    tpu.enqueue_dma source(%arg7 : memref<4096xf32, #tpu.memory_space<vmem>>) target(%dma_start3A_54 : memref<4096xf32, #tpu.memory_space<hbm>>) target_semaphore(%arg10 : memref<!tpu.dma_semaphore, #tpu.memory_space<semaphore_mem>>)
    %dma_wait3A_55 = arith.constant 0 : i32
    %dma_wait3A_56 = arith.constant 0 : i32
    %dma_wait3A_57 = tpu.memref_slice %arg2[%dma_wait3A_55, %dma_wait3A_56] : memref<64x100000xf32, #tpu.memory_space<hbm>> -> memref<1x4096xf32, #tpu.memory_space<hbm>>
    %dma_wait3A_58 = tpu.memref_squeeze %dma_wait3A_57 : memref<1x4096xf32, #tpu.memory_space<hbm>> -> memref<4096xf32, #tpu.memory_space<hbm>>
    %dma_wait3A_59 = arith.constant 0 : i32
    %dma_wait3A_60 = tpu.memref_slice %arg2[%dma_wait3A_55, %dma_wait3A_59] : memref<64x100000xf32, #tpu.memory_space<hbm>> -> memref<1x4096xf32, #tpu.memory_space<hbm>>
    %dma_wait3A_61 = tpu.memref_squeeze %dma_wait3A_60 : memref<1x4096xf32, #tpu.memory_space<hbm>> -> memref<4096xf32, #tpu.memory_space<hbm>>
    tpu.wait_dma2 semaphore(%arg10 : memref<!tpu.dma_semaphore, #tpu.memory_space<semaphore_mem>>) src(%dma_wait3A_61 : memref<4096xf32, #tpu.memory_space<hbm>>) dst(%arg8 : memref<4096xf32, #tpu.memory_space<vmem>>)
    %scan3A_62 = arith.constant 0 : i32
    %scan3A_63 = arith.constant 0 : i32
    %scan3A_64 = arith.constant 64 : i32
    %scan3A_65 = arith.addi %scan3A_63, %scan3A_64 : i32
    %scan3A_66 = arith.constant 1 : i32
    scf.for %scan3A_166 = %scan3A_63 to %scan3A_65 step %scan3A_66  : i32 {
      %mul3A_167 = arith.constant 64 : i32
      %mul3A_168 = arith.muli %scan3A_166, %mul3A_167 : i32
      %add3A_169 = arith.constant 12288 : i32
      %add3A_170 = arith.addi %add3A_169, %mul3A_168 : i32
      %add3A_171 = arith.constant 0 : i32
      %add3A_172 = arith.addi %add3A_170, %add3A_171 : i32
      %get3A = arith.index_cast %add3A_172 : i32 to index
      %get3A_173 = tpu.vector_load %arg6[%get3A] {strides = array<i32>} : memref<16384xi32, #tpu.memory_space<vmem>>, vector<16xi32>,
      %add3A_174 = arith.constant 16 : i32
      %add3A_175 = arith.addi %add3A_170, %add3A_174 : i32
      %get3A_176 = arith.index_cast %add3A_175 : i32 to index
      %get3A_177 = tpu.vector_load %arg6[%get3A_176] {strides = array<i32>} : memref<16384xi32, #tpu.memory_space<vmem>>, vector<16xi32>,
      %add3A_178 = arith.constant 32 : i32
      %add3A_179 = arith.addi %add3A_170, %add3A_178 : i32
      %get3A_180 = arith.index_cast %add3A_179 : i32 to index
      %get3A_181 = tpu.vector_load %arg6[%get3A_180] {strides = array<i32>} : memref<16384xi32, #tpu.memory_space<vmem>>, vector<16xi32>,
      %add3A_182 = arith.constant 48 : i32
      %add3A_183 = arith.addi %add3A_170, %add3A_182 : i32
      %get3A_184 = arith.index_cast %add3A_183 : i32 to index
      %get3A_185 = tpu.vector_load %arg6[%get3A_184] {strides = array<i32>} : memref<16384xi32, #tpu.memory_space<vmem>>, vector<16xi32>,
      %gather3A = tpu.vector_load_idx %arg5[%get3A_173] : memref<100000xf32, #tpu.memory_space<vmem>>[vector<16xi32>], vector<16xf32>,
      %gather3A_186 = tpu.vector_load_idx %arg5[%get3A_177] : memref<100000xf32, #tpu.memory_space<vmem>>[vector<16xi32>], vector<16xf32>,
      %gather3A_187 = tpu.vector_load_idx %arg5[%get3A_181] : memref<100000xf32, #tpu.memory_space<vmem>>[vector<16xi32>], vector<16xf32>,
      %gather3A_188 = tpu.vector_load_idx %arg5[%get3A_185] : memref<100000xf32, #tpu.memory_space<vmem>>[vector<16xi32>], vector<16xf32>,
      %mul3A_189 = arith.constant 64 : i32
      %mul3A_190 = arith.muli %scan3A_166, %mul3A_189 : i32
      %add3A_191 = arith.constant 0 : i32
      %add3A_192 = arith.addi %mul3A_190, %add3A_191 : i32
      %swap3A = arith.index_cast %add3A_192 : i32 to index
      %swap3A_193 = tpu.vector_load %arg8[%swap3A] {strides = array<i32>} : memref<4096xf32, #tpu.memory_space<vmem>>, vector<16xf32>,
      tpu.vector_store %arg8[%swap3A], %gather3A {strides = array<i32>} : memref<4096xf32, #tpu.memory_space<vmem>>, vector<16xf32>,
      %mul3A_194 = arith.constant 64 : i32
      %mul3A_195 = arith.muli %scan3A_166, %mul3A_194 : i32
      %add3A_196 = arith.constant 16 : i32
      %add3A_197 = arith.addi %mul3A_195, %add3A_196 : i32
      %swap3A_198 = arith.index_cast %add3A_197 : i32 to index
      %swap3A_199 = tpu.vector_load %arg8[%swap3A_198] {strides = array<i32>} : memref<4096xf32, #tpu.memory_space<vmem>>, vector<16xf32>,
      tpu.vector_store %arg8[%swap3A_198], %gather3A_186 {strides = array<i32>} : memref<4096xf32, #tpu.memory_space<vmem>>, vector<16xf32>,
      %mul3A_200 = arith.constant 64 : i32
      %mul3A_201 = arith.muli %scan3A_166, %mul3A_200 : i32
      %add3A_202 = arith.constant 32 : i32
      %add3A_203 = arith.addi %mul3A_201, %add3A_202 : i32
      %swap3A_204 = arith.index_cast %add3A_203 : i32 to index
      %swap3A_205 = tpu.vector_load %arg8[%swap3A_204] {strides = array<i32>} : memref<4096xf32, #tpu.memory_space<vmem>>, vector<16xf32>,
      tpu.vector_store %arg8[%swap3A_204], %gather3A_187 {strides = array<i32>} : memref<4096xf32, #tpu.memory_space<vmem>>, vector<16xf32>,
      %mul3A_206 = arith.constant 64 : i32
      %mul3A_207 = arith.muli %scan3A_166, %mul3A_206 : i32
      %add3A_208 = arith.constant 48 : i32
      %add3A_209 = arith.addi %mul3A_207, %add3A_208 : i32
      %swap3A_210 = arith.index_cast %add3A_209 : i32 to index
      %swap3A_211 = tpu.vector_load %arg8[%swap3A_210] {strides = array<i32>} : memref<4096xf32, #tpu.memory_space<vmem>>, vector<16xf32>,
      tpu.vector_store %arg8[%swap3A_210], %gather3A_188 {strides = array<i32>} : memref<4096xf32, #tpu.memory_space<vmem>>, vector<16xf32>,
    }
    %scan3A_67 = arith.constant 64 : i32
    %dma_start3A_68 = arith.constant 12288 : i32
    %dma_start3A_69 = tpu.memref_slice %arg4[%add3A_12, %dma_start3A_68] : memref<64x16384xf32, #tpu.memory_space<hbm>> -> memref<1x4096xf32, #tpu.memory_space<hbm>>
    %dma_start3A_70 = tpu.memref_squeeze %dma_start3A_69 : memref<1x4096xf32, #tpu.memory_space<hbm>> -> memref<4096xf32, #tpu.memory_space<hbm>>
    %dma_start3A_71 = arith.constant 12288 : i32
    %dma_start3A_72 = tpu.memref_slice %arg4[%add3A_12, %dma_start3A_71] : memref<64x16384xf32, #tpu.memory_space<hbm>> -> memref<1x4096xf32, #tpu.memory_space<hbm>>
    %dma_start3A_73 = tpu.memref_squeeze %dma_start3A_72 : memref<1x4096xf32, #tpu.memory_space<hbm>> -> memref<4096xf32, #tpu.memory_space<hbm>>
    tpu.enqueue_dma source(%arg8 : memref<4096xf32, #tpu.memory_space<vmem>>) target(%dma_start3A_73 : memref<4096xf32, #tpu.memory_space<hbm>>) target_semaphore(%arg10 : memref<!tpu.dma_semaphore, #tpu.memory_space<semaphore_mem>>)
    %add3A_74 = arith.constant 32 : i32
    %add3A_75 = arith.addi %add3A, %add3A_74 : i32
    "tpu.region"() ({
      %run_scoped3A = tpu.sem_alloc : memref<!tpu.dma_semaphore, #tpu.memory_space<semaphore_mem>>
      %dma_start3A_166 = arith.constant 0 : i32
      %dma_start3A_167 = tpu.memref_slice %arg2[%add3A_75, %dma_start3A_166] : memref<64x100000xf32, #tpu.memory_space<hbm>> -> memref<1x100000xf32, #tpu.memory_space<hbm>>
      %dma_start3A_168 = tpu.memref_squeeze %dma_start3A_167 : memref<1x100000xf32, #tpu.memory_space<hbm>> -> memref<100000xf32, #tpu.memory_space<hbm>>
      %dma_start3A_169 = arith.constant 0 : i32
      %dma_start3A_170 = tpu.memref_slice %arg2[%add3A_75, %dma_start3A_169] : memref<64x100000xf32, #tpu.memory_space<hbm>> -> memref<1x100000xf32, #tpu.memory_space<hbm>>
      %dma_start3A_171 = tpu.memref_squeeze %dma_start3A_170 : memref<1x100000xf32, #tpu.memory_space<hbm>> -> memref<100000xf32, #tpu.memory_space<hbm>>
      tpu.enqueue_dma source(%dma_start3A_171 : memref<100000xf32, #tpu.memory_space<hbm>>) target(%arg5 : memref<100000xf32, #tpu.memory_space<vmem>>) target_semaphore(%run_scoped3A : memref<!tpu.dma_semaphore, #tpu.memory_space<semaphore_mem>>)
      %dma_wait3A_172 = arith.constant 0 : i32
      %dma_wait3A_173 = tpu.memref_slice %arg2[%add3A_75, %dma_wait3A_172] : memref<64x100000xf32, #tpu.memory_space<hbm>> -> memref<1x100000xf32, #tpu.memory_space<hbm>>
      %dma_wait3A_174 = tpu.memref_squeeze %dma_wait3A_173 : memref<1x100000xf32, #tpu.memory_space<hbm>> -> memref<100000xf32, #tpu.memory_space<hbm>>
      %dma_wait3A_175 = arith.constant 0 : i32
      %dma_wait3A_176 = tpu.memref_slice %arg2[%add3A_75, %dma_wait3A_175] : memref<64x100000xf32, #tpu.memory_space<hbm>> -> memref<1x100000xf32, #tpu.memory_space<hbm>>
      %dma_wait3A_177 = tpu.memref_squeeze %dma_wait3A_176 : memref<1x100000xf32, #tpu.memory_space<hbm>> -> memref<100000xf32, #tpu.memory_space<hbm>>
      tpu.wait_dma2 semaphore(%run_scoped3A : memref<!tpu.dma_semaphore, #tpu.memory_space<semaphore_mem>>) src(%dma_wait3A_177 : memref<100000xf32, #tpu.memory_space<hbm>>) dst(%arg5 : memref<100000xf32, #tpu.memory_space<vmem>>)
      tpu.yield
    }) : () -> ()
    %dma_wait3A_76 = arith.constant 0 : i32
    %dma_wait3A_77 = arith.constant 0 : i32
    %dma_wait3A_78 = tpu.memref_slice %arg2[%dma_wait3A_76, %dma_wait3A_77] : memref<64x100000xf32, #tpu.memory_space<hbm>> -> memref<1x4096xf32, #tpu.memory_space<hbm>>
    %dma_wait3A_79 = tpu.memref_squeeze %dma_wait3A_78 : memref<1x4096xf32, #tpu.memory_space<hbm>> -> memref<4096xf32, #tpu.memory_space<hbm>>
    %dma_wait3A_80 = arith.constant 0 : i32
    %dma_wait3A_81 = tpu.memref_slice %arg2[%dma_wait3A_76, %dma_wait3A_80] : memref<64x100000xf32, #tpu.memory_space<hbm>> -> memref<1x4096xf32, #tpu.memory_space<hbm>>
    %dma_wait3A_82 = tpu.memref_squeeze %dma_wait3A_81 : memref<1x4096xf32, #tpu.memory_space<hbm>> -> memref<4096xf32, #tpu.memory_space<hbm>>
    tpu.wait_dma2 semaphore(%arg10 : memref<!tpu.dma_semaphore, #tpu.memory_space<semaphore_mem>>) src(%dma_wait3A_82 : memref<4096xf32, #tpu.memory_space<hbm>>) dst(%arg7 : memref<4096xf32, #tpu.memory_space<vmem>>)
    %scan3A_83 = arith.constant 0 : i32
    %scan3A_84 = arith.constant 0 : i32
    %scan3A_85 = arith.constant 64 : i32
    %scan3A_86 = arith.addi %scan3A_84, %scan3A_85 : i32
    %scan3A_87 = arith.constant 1 : i32
    scf.for %scan3A_166 = %scan3A_84 to %scan3A_86 step %scan3A_87  : i32 {
      %mul3A_167 = arith.constant 64 : i32
      %mul3A_168 = arith.muli %scan3A_166, %mul3A_167 : i32
      %add3A_169 = arith.constant 0 : i32
      %add3A_170 = arith.addi %add3A_169, %mul3A_168 : i32
      %add3A_171 = arith.constant 0 : i32
      %add3A_172 = arith.addi %add3A_170, %add3A_171 : i32
      %get3A = arith.index_cast %add3A_172 : i32 to index
      %get3A_173 = tpu.vector_load %arg6[%get3A] {strides = array<i32>} : memref<16384xi32, #tpu.memory_space<vmem>>, vector<16xi32>,
      %add3A_174 = arith.constant 16 : i32
      %add3A_175 = arith.addi %add3A_170, %add3A_174 : i32
      %get3A_176 = arith.index_cast %add3A_175 : i32 to index
      %get3A_177 = tpu.vector_load %arg6[%get3A_176] {strides = array<i32>} : memref<16384xi32, #tpu.memory_space<vmem>>, vector<16xi32>,
      %add3A_178 = arith.constant 32 : i32
      %add3A_179 = arith.addi %add3A_170, %add3A_178 : i32
      %get3A_180 = arith.index_cast %add3A_179 : i32 to index
      %get3A_181 = tpu.vector_load %arg6[%get3A_180] {strides = array<i32>} : memref<16384xi32, #tpu.memory_space<vmem>>, vector<16xi32>,
      %add3A_182 = arith.constant 48 : i32
      %add3A_183 = arith.addi %add3A_170, %add3A_182 : i32
      %get3A_184 = arith.index_cast %add3A_183 : i32 to index
      %get3A_185 = tpu.vector_load %arg6[%get3A_184] {strides = array<i32>} : memref<16384xi32, #tpu.memory_space<vmem>>, vector<16xi32>,
      %gather3A = tpu.vector_load_idx %arg5[%get3A_173] : memref<100000xf32, #tpu.memory_space<vmem>>[vector<16xi32>], vector<16xf32>,
      %gather3A_186 = tpu.vector_load_idx %arg5[%get3A_177] : memref<100000xf32, #tpu.memory_space<vmem>>[vector<16xi32>], vector<16xf32>,
      %gather3A_187 = tpu.vector_load_idx %arg5[%get3A_181] : memref<100000xf32, #tpu.memory_space<vmem>>[vector<16xi32>], vector<16xf32>,
      %gather3A_188 = tpu.vector_load_idx %arg5[%get3A_185] : memref<100000xf32, #tpu.memory_space<vmem>>[vector<16xi32>], vector<16xf32>,
      %mul3A_189 = arith.constant 64 : i32
      %mul3A_190 = arith.muli %scan3A_166, %mul3A_189 : i32
      %add3A_191 = arith.constant 0 : i32
      %add3A_192 = arith.addi %mul3A_190, %add3A_191 : i32
      %swap3A = arith.index_cast %add3A_192 : i32 to index
      %swap3A_193 = tpu.vector_load %arg7[%swap3A] {strides = array<i32>} : memref<4096xf32, #tpu.memory_space<vmem>>, vector<16xf32>,
      tpu.vector_store %arg7[%swap3A], %gather3A {strides = array<i32>} : memref<4096xf32, #tpu.memory_space<vmem>>, vector<16xf32>,
      %mul3A_194 = arith.constant 64 : i32
      %mul3A_195 = arith.muli %scan3A_166, %mul3A_194 : i32
      %add3A_196 = arith.constant 16 : i32
      %add3A_197 = arith.addi %mul3A_195, %add3A_196 : i32
      %swap3A_198 = arith.index_cast %add3A_197 : i32 to index
      %swap3A_199 = tpu.vector_load %arg7[%swap3A_198] {strides = array<i32>} : memref<4096xf32, #tpu.memory_space<vmem>>, vector<16xf32>,
      tpu.vector_store %arg7[%swap3A_198], %gather3A_186 {strides = array<i32>} : memref<4096xf32, #tpu.memory_space<vmem>>, vector<16xf32>,
      %mul3A_200 = arith.constant 64 : i32
      %mul3A_201 = arith.muli %scan3A_166, %mul3A_200 : i32
      %add3A_202 = arith.constant 32 : i32
      %add3A_203 = arith.addi %mul3A_201, %add3A_202 : i32
      %swap3A_204 = arith.index_cast %add3A_203 : i32 to index
      %swap3A_205 = tpu.vector_load %arg7[%swap3A_204] {strides = array<i32>} : memref<4096xf32, #tpu.memory_space<vmem>>, vector<16xf32>,
      tpu.vector_store %arg7[%swap3A_204], %gather3A_187 {strides = array<i32>} : memref<4096xf32, #tpu.memory_space<vmem>>, vector<16xf32>,
      %mul3A_206 = arith.constant 64 : i32
      %mul3A_207 = arith.muli %scan3A_166, %mul3A_206 : i32
      %add3A_208 = arith.constant 48 : i32
      %add3A_209 = arith.addi %mul3A_207, %add3A_208 : i32
      %swap3A_210 = arith.index_cast %add3A_209 : i32 to index
      %swap3A_211 = tpu.vector_load %arg7[%swap3A_210] {strides = array<i32>} : memref<4096xf32, #tpu.memory_space<vmem>>, vector<16xf32>,
      tpu.vector_store %arg7[%swap3A_210], %gather3A_188 {strides = array<i32>} : memref<4096xf32, #tpu.memory_space<vmem>>, vector<16xf32>,
    }
    %scan3A_88 = arith.constant 64 : i32
    %dma_start3A_89 = arith.constant 0 : i32
    %dma_start3A_90 = tpu.memref_slice %arg4[%add3A_75, %dma_start3A_89] : memref<64x16384xf32, #tpu.memory_space<hbm>> -> memref<1x4096xf32, #tpu.memory_space<hbm>>
    %dma_start3A_91 = tpu.memref_squeeze %dma_start3A_90 : memref<1x4096xf32, #tpu.memory_space<hbm>> -> memref<4096xf32, #tpu.memory_space<hbm>>
    %dma_start3A_92 = arith.constant 0 : i32
    %dma_start3A_93 = tpu.memref_slice %arg4[%add3A_75, %dma_start3A_92] : memref<64x16384xf32, #tpu.memory_space<hbm>> -> memref<1x4096xf32, #tpu.memory_space<hbm>>
    %dma_start3A_94 = tpu.memref_squeeze %dma_start3A_93 : memref<1x4096xf32, #tpu.memory_space<hbm>> -> memref<4096xf32, #tpu.memory_space<hbm>>
    tpu.enqueue_dma source(%arg7 : memref<4096xf32, #tpu.memory_space<vmem>>) target(%dma_start3A_94 : memref<4096xf32, #tpu.memory_space<hbm>>) target_semaphore(%arg10 : memref<!tpu.dma_semaphore, #tpu.memory_space<semaphore_mem>>)
    %dma_wait3A_95 = arith.constant 0 : i32
    %dma_wait3A_96 = arith.constant 0 : i32
    %dma_wait3A_97 = tpu.memref_slice %arg2[%dma_wait3A_95, %dma_wait3A_96] : memref<64x100000xf32, #tpu.memory_space<hbm>> -> memref<1x4096xf32, #tpu.memory_space<hbm>>
    %dma_wait3A_98 = tpu.memref_squeeze %dma_wait3A_97 : memref<1x4096xf32, #tpu.memory_space<hbm>> -> memref<4096xf32, #tpu.memory_space<hbm>>
    %dma_wait3A_99 = arith.constant 0 : i32
    %dma_wait3A_100 = tpu.memref_slice %arg2[%dma_wait3A_95, %dma_wait3A_99] : memref<64x100000xf32, #tpu.memory_space<hbm>> -> memref<1x4096xf32, #tpu.memory_space<hbm>>
    %dma_wait3A_101 = tpu.memref_squeeze %dma_wait3A_100 : memref<1x4096xf32, #tpu.memory_space<hbm>> -> memref<4096xf32, #tpu.memory_space<hbm>>
    tpu.wait_dma2 semaphore(%arg10 : memref<!tpu.dma_semaphore, #tpu.memory_space<semaphore_mem>>) src(%dma_wait3A_101 : memref<4096xf32, #tpu.memory_space<hbm>>) dst(%arg8 : memref<4096xf32, #tpu.memory_space<vmem>>)
    %scan3A_102 = arith.constant 0 : i32
    %scan3A_103 = arith.constant 0 : i32
    %scan3A_104 = arith.constant 64 : i32
    %scan3A_105 = arith.addi %scan3A_103, %scan3A_104 : i32
    %scan3A_106 = arith.constant 1 : i32
    scf.for %scan3A_166 = %scan3A_103 to %scan3A_105 step %scan3A_106  : i32 {
      %mul3A_167 = arith.constant 64 : i32
      %mul3A_168 = arith.muli %scan3A_166, %mul3A_167 : i32
      %add3A_169 = arith.constant 4096 : i32
      %add3A_170 = arith.addi %add3A_169, %mul3A_168 : i32
      %add3A_171 = arith.constant 0 : i32
      %add3A_172 = arith.addi %add3A_170, %add3A_171 : i32
      %get3A = arith.index_cast %add3A_172 : i32 to index
      %get3A_173 = tpu.vector_load %arg6[%get3A] {strides = array<i32>} : memref<16384xi32, #tpu.memory_space<vmem>>, vector<16xi32>,
      %add3A_174 = arith.constant 16 : i32
      %add3A_175 = arith.addi %add3A_170, %add3A_174 : i32
      %get3A_176 = arith.index_cast %add3A_175 : i32 to index
      %get3A_177 = tpu.vector_load %arg6[%get3A_176] {strides = array<i32>} : memref<16384xi32, #tpu.memory_space<vmem>>, vector<16xi32>,
      %add3A_178 = arith.constant 32 : i32
      %add3A_179 = arith.addi %add3A_170, %add3A_178 : i32
      %get3A_180 = arith.index_cast %add3A_179 : i32 to index
      %get3A_181 = tpu.vector_load %arg6[%get3A_180] {strides = array<i32>} : memref<16384xi32, #tpu.memory_space<vmem>>, vector<16xi32>,
      %add3A_182 = arith.constant 48 : i32
      %add3A_183 = arith.addi %add3A_170, %add3A_182 : i32
      %get3A_184 = arith.index_cast %add3A_183 : i32 to index
      %get3A_185 = tpu.vector_load %arg6[%get3A_184] {strides = array<i32>} : memref<16384xi32, #tpu.memory_space<vmem>>, vector<16xi32>,
      %gather3A = tpu.vector_load_idx %arg5[%get3A_173] : memref<100000xf32, #tpu.memory_space<vmem>>[vector<16xi32>], vector<16xf32>,
      %gather3A_186 = tpu.vector_load_idx %arg5[%get3A_177] : memref<100000xf32, #tpu.memory_space<vmem>>[vector<16xi32>], vector<16xf32>,
      %gather3A_187 = tpu.vector_load_idx %arg5[%get3A_181] : memref<100000xf32, #tpu.memory_space<vmem>>[vector<16xi32>], vector<16xf32>,
      %gather3A_188 = tpu.vector_load_idx %arg5[%get3A_185] : memref<100000xf32, #tpu.memory_space<vmem>>[vector<16xi32>], vector<16xf32>,
      %mul3A_189 = arith.constant 64 : i32
      %mul3A_190 = arith.muli %scan3A_166, %mul3A_189 : i32
      %add3A_191 = arith.constant 0 : i32
      %add3A_192 = arith.addi %mul3A_190, %add3A_191 : i32
      %swap3A = arith.index_cast %add3A_192 : i32 to index
      %swap3A_193 = tpu.vector_load %arg8[%swap3A] {strides = array<i32>} : memref<4096xf32, #tpu.memory_space<vmem>>, vector<16xf32>,
      tpu.vector_store %arg8[%swap3A], %gather3A {strides = array<i32>} : memref<4096xf32, #tpu.memory_space<vmem>>, vector<16xf32>,
      %mul3A_194 = arith.constant 64 : i32
      %mul3A_195 = arith.muli %scan3A_166, %mul3A_194 : i32
      %add3A_196 = arith.constant 16 : i32
      %add3A_197 = arith.addi %mul3A_195, %add3A_196 : i32
      %swap3A_198 = arith.index_cast %add3A_197 : i32 to index
      %swap3A_199 = tpu.vector_load %arg8[%swap3A_198] {strides = array<i32>} : memref<4096xf32, #tpu.memory_space<vmem>>, vector<16xf32>,
      tpu.vector_store %arg8[%swap3A_198], %gather3A_186 {strides = array<i32>} : memref<4096xf32, #tpu.memory_space<vmem>>, vector<16xf32>,
      %mul3A_200 = arith.constant 64 : i32
      %mul3A_201 = arith.muli %scan3A_166, %mul3A_200 : i32
      %add3A_202 = arith.constant 32 : i32
      %add3A_203 = arith.addi %mul3A_201, %add3A_202 : i32
      %swap3A_204 = arith.index_cast %add3A_203 : i32 to index
      %swap3A_205 = tpu.vector_load %arg8[%swap3A_204] {strides = array<i32>} : memref<4096xf32, #tpu.memory_space<vmem>>, vector<16xf32>,
      tpu.vector_store %arg8[%swap3A_204], %gather3A_187 {strides = array<i32>} : memref<4096xf32, #tpu.memory_space<vmem>>, vector<16xf32>,
      %mul3A_206 = arith.constant 64 : i32
      %mul3A_207 = arith.muli %scan3A_166, %mul3A_206 : i32
      %add3A_208 = arith.constant 48 : i32
      %add3A_209 = arith.addi %mul3A_207, %add3A_208 : i32
      %swap3A_210 = arith.index_cast %add3A_209 : i32 to index
      %swap3A_211 = tpu.vector_load %arg8[%swap3A_210] {strides = array<i32>} : memref<4096xf32, #tpu.memory_space<vmem>>, vector<16xf32>,
      tpu.vector_store %arg8[%swap3A_210], %gather3A_188 {strides = array<i32>} : memref<4096xf32, #tpu.memory_space<vmem>>, vector<16xf32>,
    }
    %scan3A_107 = arith.constant 64 : i32
    %dma_start3A_108 = arith.constant 4096 : i32
    %dma_start3A_109 = tpu.memref_slice %arg4[%add3A_75, %dma_start3A_108] : memref<64x16384xf32, #tpu.memory_space<hbm>> -> memref<1x4096xf32, #tpu.memory_space<hbm>>
    %dma_start3A_110 = tpu.memref_squeeze %dma_start3A_109 : memref<1x4096xf32, #tpu.memory_space<hbm>> -> memref<4096xf32, #tpu.memory_space<hbm>>
    %dma_start3A_111 = arith.constant 4096 : i32
    %dma_start3A_112 = tpu.memref_slice %arg4[%add3A_75, %dma_start3A_111] : memref<64x16384xf32, #tpu.memory_space<hbm>> -> memref<1x4096xf32, #tpu.memory_space<hbm>>
    %dma_start3A_113 = tpu.memref_squeeze %dma_start3A_112 : memref<1x4096xf32, #tpu.memory_space<hbm>> -> memref<4096xf32, #tpu.memory_space<hbm>>
    tpu.enqueue_dma source(%arg8 : memref<4096xf32, #tpu.memory_space<vmem>>) target(%dma_start3A_113 : memref<4096xf32, #tpu.memory_space<hbm>>) target_semaphore(%arg10 : memref<!tpu.dma_semaphore, #tpu.memory_space<semaphore_mem>>)
    %dma_wait3A_114 = arith.constant 0 : i32
    %dma_wait3A_115 = arith.constant 0 : i32
    %dma_wait3A_116 = tpu.memref_slice %arg2[%dma_wait3A_114, %dma_wait3A_115] : memref<64x100000xf32, #tpu.memory_space<hbm>> -> memref<1x4096xf32, #tpu.memory_space<hbm>>
    %dma_wait3A_117 = tpu.memref_squeeze %dma_wait3A_116 : memref<1x4096xf32, #tpu.memory_space<hbm>> -> memref<4096xf32, #tpu.memory_space<hbm>>
    %dma_wait3A_118 = arith.constant 0 : i32
    %dma_wait3A_119 = tpu.memref_slice %arg2[%dma_wait3A_114, %dma_wait3A_118] : memref<64x100000xf32, #tpu.memory_space<hbm>> -> memref<1x4096xf32, #tpu.memory_space<hbm>>
    %dma_wait3A_120 = tpu.memref_squeeze %dma_wait3A_119 : memref<1x4096xf32, #tpu.memory_space<hbm>> -> memref<4096xf32, #tpu.memory_space<hbm>>
    tpu.wait_dma2 semaphore(%arg10 : memref<!tpu.dma_semaphore, #tpu.memory_space<semaphore_mem>>) src(%dma_wait3A_120 : memref<4096xf32, #tpu.memory_space<hbm>>) dst(%arg7 : memref<4096xf32, #tpu.memory_space<vmem>>)
    %scan3A_121 = arith.constant 0 : i32
    %scan3A_122 = arith.constant 0 : i32
    %scan3A_123 = arith.constant 64 : i32
    %scan3A_124 = arith.addi %scan3A_122, %scan3A_123 : i32
    %scan3A_125 = arith.constant 1 : i32
    scf.for %scan3A_166 = %scan3A_122 to %scan3A_124 step %scan3A_125  : i32 {
      %mul3A_167 = arith.constant 64 : i32
      %mul3A_168 = arith.muli %scan3A_166, %mul3A_167 : i32
      %add3A_169 = arith.constant 8192 : i32
      %add3A_170 = arith.addi %add3A_169, %mul3A_168 : i32
      %add3A_171 = arith.constant 0 : i32
      %add3A_172 = arith.addi %add3A_170, %add3A_171 : i32
      %get3A = arith.index_cast %add3A_172 : i32 to index
      %get3A_173 = tpu.vector_load %arg6[%get3A] {strides = array<i32>} : memref<16384xi32, #tpu.memory_space<vmem>>, vector<16xi32>,
      %add3A_174 = arith.constant 16 : i32
      %add3A_175 = arith.addi %add3A_170, %add3A_174 : i32
      %get3A_176 = arith.index_cast %add3A_175 : i32 to index
      %get3A_177 = tpu.vector_load %arg6[%get3A_176] {strides = array<i32>} : memref<16384xi32, #tpu.memory_space<vmem>>, vector<16xi32>,
      %add3A_178 = arith.constant 32 : i32
      %add3A_179 = arith.addi %add3A_170, %add3A_178 : i32
      %get3A_180 = arith.index_cast %add3A_179 : i32 to index
      %get3A_181 = tpu.vector_load %arg6[%get3A_180] {strides = array<i32>} : memref<16384xi32, #tpu.memory_space<vmem>>, vector<16xi32>,
      %add3A_182 = arith.constant 48 : i32
      %add3A_183 = arith.addi %add3A_170, %add3A_182 : i32
      %get3A_184 = arith.index_cast %add3A_183 : i32 to index
      %get3A_185 = tpu.vector_load %arg6[%get3A_184] {strides = array<i32>} : memref<16384xi32, #tpu.memory_space<vmem>>, vector<16xi32>,
      %gather3A = tpu.vector_load_idx %arg5[%get3A_173] : memref<100000xf32, #tpu.memory_space<vmem>>[vector<16xi32>], vector<16xf32>,
      %gather3A_186 = tpu.vector_load_idx %arg5[%get3A_177] : memref<100000xf32, #tpu.memory_space<vmem>>[vector<16xi32>], vector<16xf32>,
      %gather3A_187 = tpu.vector_load_idx %arg5[%get3A_181] : memref<100000xf32, #tpu.memory_space<vmem>>[vector<16xi32>], vector<16xf32>,
      %gather3A_188 = tpu.vector_load_idx %arg5[%get3A_185] : memref<100000xf32, #tpu.memory_space<vmem>>[vector<16xi32>], vector<16xf32>,
      %mul3A_189 = arith.constant 64 : i32
      %mul3A_190 = arith.muli %scan3A_166, %mul3A_189 : i32
      %add3A_191 = arith.constant 0 : i32
      %add3A_192 = arith.addi %mul3A_190, %add3A_191 : i32
      %swap3A = arith.index_cast %add3A_192 : i32 to index
      %swap3A_193 = tpu.vector_load %arg7[%swap3A] {strides = array<i32>} : memref<4096xf32, #tpu.memory_space<vmem>>, vector<16xf32>,
      tpu.vector_store %arg7[%swap3A], %gather3A {strides = array<i32>} : memref<4096xf32, #tpu.memory_space<vmem>>, vector<16xf32>,
      %mul3A_194 = arith.constant 64 : i32
      %mul3A_195 = arith.muli %scan3A_166, %mul3A_194 : i32
      %add3A_196 = arith.constant 16 : i32
      %add3A_197 = arith.addi %mul3A_195, %add3A_196 : i32
      %swap3A_198 = arith.index_cast %add3A_197 : i32 to index
      %swap3A_199 = tpu.vector_load %arg7[%swap3A_198] {strides = array<i32>} : memref<4096xf32, #tpu.memory_space<vmem>>, vector<16xf32>,
      tpu.vector_store %arg7[%swap3A_198], %gather3A_186 {strides = array<i32>} : memref<4096xf32, #tpu.memory_space<vmem>>, vector<16xf32>,
      %mul3A_200 = arith.constant 64 : i32
      %mul3A_201 = arith.muli %scan3A_166, %mul3A_200 : i32
      %add3A_202 = arith.constant 32 : i32
      %add3A_203 = arith.addi %mul3A_201, %add3A_202 : i32
      %swap3A_204 = arith.index_cast %add3A_203 : i32 to index
      %swap3A_205 = tpu.vector_load %arg7[%swap3A_204] {strides = array<i32>} : memref<4096xf32, #tpu.memory_space<vmem>>, vector<16xf32>,
      tpu.vector_store %arg7[%swap3A_204], %gather3A_187 {strides = array<i32>} : memref<4096xf32, #tpu.memory_space<vmem>>, vector<16xf32>,
      %mul3A_206 = arith.constant 64 : i32
      %mul3A_207 = arith.muli %scan3A_166, %mul3A_206 : i32
      %add3A_208 = arith.constant 48 : i32
      %add3A_209 = arith.addi %mul3A_207, %add3A_208 : i32
      %swap3A_210 = arith.index_cast %add3A_209 : i32 to index
      %swap3A_211 = tpu.vector_load %arg7[%swap3A_210] {strides = array<i32>} : memref<4096xf32, #tpu.memory_space<vmem>>, vector<16xf32>,
      tpu.vector_store %arg7[%swap3A_210], %gather3A_188 {strides = array<i32>} : memref<4096xf32, #tpu.memory_space<vmem>>, vector<16xf32>,
    }
    %scan3A_126 = arith.constant 64 : i32
    %dma_start3A_127 = arith.constant 8192 : i32
    %dma_start3A_128 = tpu.memref_slice %arg4[%add3A_75, %dma_start3A_127] : memref<64x16384xf32, #tpu.memory_space<hbm>> -> memref<1x4096xf32, #tpu.memory_space<hbm>>
    %dma_start3A_129 = tpu.memref_squeeze %dma_start3A_128 : memref<1x4096xf32, #tpu.memory_space<hbm>> -> memref<4096xf32, #tpu.memory_space<hbm>>
    %dma_start3A_130 = arith.constant 8192 : i32
    %dma_start3A_131 = tpu.memref_slice %arg4[%add3A_75, %dma_start3A_130] : memref<64x16384xf32, #tpu.memory_space<hbm>> -> memref<1x4096xf32, #tpu.memory_space<hbm>>
    %dma_start3A_132 = tpu.memref_squeeze %dma_start3A_131 : memref<1x4096xf32, #tpu.memory_space<hbm>> -> memref<4096xf32, #tpu.memory_space<hbm>>
    tpu.enqueue_dma source(%arg7 : memref<4096xf32, #tpu.memory_space<vmem>>) target(%dma_start3A_132 : memref<4096xf32, #tpu.memory_space<hbm>>) target_semaphore(%arg10 : memref<!tpu.dma_semaphore, #tpu.memory_space<semaphore_mem>>)
    %dma_wait3A_133 = arith.constant 0 : i32
    %dma_wait3A_134 = arith.constant 0 : i32
    %dma_wait3A_135 = tpu.memref_slice %arg2[%dma_wait3A_133, %dma_wait3A_134] : memref<64x100000xf32, #tpu.memory_space<hbm>> -> memref<1x4096xf32, #tpu.memory_space<hbm>>
    %dma_wait3A_136 = tpu.memref_squeeze %dma_wait3A_135 : memref<1x4096xf32, #tpu.memory_space<hbm>> -> memref<4096xf32, #tpu.memory_space<hbm>>
    %dma_wait3A_137 = arith.constant 0 : i32
    %dma_wait3A_138 = tpu.memref_slice %arg2[%dma_wait3A_133, %dma_wait3A_137] : memref<64x100000xf32, #tpu.memory_space<hbm>> -> memref<1x4096xf32, #tpu.memory_space<hbm>>
    %dma_wait3A_139 = tpu.memref_squeeze %dma_wait3A_138 : memref<1x4096xf32, #tpu.memory_space<hbm>> -> memref<4096xf32, #tpu.memory_space<hbm>>
    tpu.wait_dma2 semaphore(%arg10 : memref<!tpu.dma_semaphore, #tpu.memory_space<semaphore_mem>>) src(%dma_wait3A_139 : memref<4096xf32, #tpu.memory_space<hbm>>) dst(%arg8 : memref<4096xf32, #tpu.memory_space<vmem>>)
    %scan3A_140 = arith.constant 0 : i32
    %scan3A_141 = arith.constant 0 : i32
    %scan3A_142 = arith.constant 64 : i32
    %scan3A_143 = arith.addi %scan3A_141, %scan3A_142 : i32
    %scan3A_144 = arith.constant 1 : i32
    scf.for %scan3A_166 = %scan3A_141 to %scan3A_143 step %scan3A_144  : i32 {
      %mul3A_167 = arith.constant 64 : i32
      %mul3A_168 = arith.muli %scan3A_166, %mul3A_167 : i32
      %add3A_169 = arith.constant 12288 : i32
      %add3A_170 = arith.addi %add3A_169, %mul3A_168 : i32
      %add3A_171 = arith.constant 0 : i32
      %add3A_172 = arith.addi %add3A_170, %add3A_171 : i32
      %get3A = arith.index_cast %add3A_172 : i32 to index
      %get3A_173 = tpu.vector_load %arg6[%get3A] {strides = array<i32>} : memref<16384xi32, #tpu.memory_space<vmem>>, vector<16xi32>,
      %add3A_174 = arith.constant 16 : i32
      %add3A_175 = arith.addi %add3A_170, %add3A_174 : i32
      %get3A_176 = arith.index_cast %add3A_175 : i32 to index
      %get3A_177 = tpu.vector_load %arg6[%get3A_176] {strides = array<i32>} : memref<16384xi32, #tpu.memory_space<vmem>>, vector<16xi32>,
      %add3A_178 = arith.constant 32 : i32
      %add3A_179 = arith.addi %add3A_170, %add3A_178 : i32
      %get3A_180 = arith.index_cast %add3A_179 : i32 to index
      %get3A_181 = tpu.vector_load %arg6[%get3A_180] {strides = array<i32>} : memref<16384xi32, #tpu.memory_space<vmem>>, vector<16xi32>,
      %add3A_182 = arith.constant 48 : i32
      %add3A_183 = arith.addi %add3A_170, %add3A_182 : i32
      %get3A_184 = arith.index_cast %add3A_183 : i32 to index
      %get3A_185 = tpu.vector_load %arg6[%get3A_184] {strides = array<i32>} : memref<16384xi32, #tpu.memory_space<vmem>>, vector<16xi32>,
      %gather3A = tpu.vector_load_idx %arg5[%get3A_173] : memref<100000xf32, #tpu.memory_space<vmem>>[vector<16xi32>], vector<16xf32>,
      %gather3A_186 = tpu.vector_load_idx %arg5[%get3A_177] : memref<100000xf32, #tpu.memory_space<vmem>>[vector<16xi32>], vector<16xf32>,
      %gather3A_187 = tpu.vector_load_idx %arg5[%get3A_181] : memref<100000xf32, #tpu.memory_space<vmem>>[vector<16xi32>], vector<16xf32>,
      %gather3A_188 = tpu.vector_load_idx %arg5[%get3A_185] : memref<100000xf32, #tpu.memory_space<vmem>>[vector<16xi32>], vector<16xf32>,
      %mul3A_189 = arith.constant 64 : i32
      %mul3A_190 = arith.muli %scan3A_166, %mul3A_189 : i32
      %add3A_191 = arith.constant 0 : i32
      %add3A_192 = arith.addi %mul3A_190, %add3A_191 : i32
      %swap3A = arith.index_cast %add3A_192 : i32 to index
      %swap3A_193 = tpu.vector_load %arg8[%swap3A] {strides = array<i32>} : memref<4096xf32, #tpu.memory_space<vmem>>, vector<16xf32>,
      tpu.vector_store %arg8[%swap3A], %gather3A {strides = array<i32>} : memref<4096xf32, #tpu.memory_space<vmem>>, vector<16xf32>,
      %mul3A_194 = arith.constant 64 : i32
      %mul3A_195 = arith.muli %scan3A_166, %mul3A_194 : i32
      %add3A_196 = arith.constant 16 : i32
      %add3A_197 = arith.addi %mul3A_195, %add3A_196 : i32
      %swap3A_198 = arith.index_cast %add3A_197 : i32 to index
      %swap3A_199 = tpu.vector_load %arg8[%swap3A_198] {strides = array<i32>} : memref<4096xf32, #tpu.memory_space<vmem>>, vector<16xf32>,
      tpu.vector_store %arg8[%swap3A_198], %gather3A_186 {strides = array<i32>} : memref<4096xf32, #tpu.memory_space<vmem>>, vector<16xf32>,
      %mul3A_200 = arith.constant 64 : i32
      %mul3A_201 = arith.muli %scan3A_166, %mul3A_200 : i32
      %add3A_202 = arith.constant 32 : i32
      %add3A_203 = arith.addi %mul3A_201, %add3A_202 : i32
      %swap3A_204 = arith.index_cast %add3A_203 : i32 to index
      %swap3A_205 = tpu.vector_load %arg8[%swap3A_204] {strides = array<i32>} : memref<4096xf32, #tpu.memory_space<vmem>>, vector<16xf32>,
      tpu.vector_store %arg8[%swap3A_204], %gather3A_187 {strides = array<i32>} : memref<4096xf32, #tpu.memory_space<vmem>>, vector<16xf32>,
      %mul3A_206 = arith.constant 64 : i32
      %mul3A_207 = arith.muli %scan3A_166, %mul3A_206 : i32
      %add3A_208 = arith.constant 48 : i32
      %add3A_209 = arith.addi %mul3A_207, %add3A_208 : i32
      %swap3A_210 = arith.index_cast %add3A_209 : i32 to index
      %swap3A_211 = tpu.vector_load %arg8[%swap3A_210] {strides = array<i32>} : memref<4096xf32, #tpu.memory_space<vmem>>, vector<16xf32>,
      tpu.vector_store %arg8[%swap3A_210], %gather3A_188 {strides = array<i32>} : memref<4096xf32, #tpu.memory_space<vmem>>, vector<16xf32>,
    }
    %scan3A_145 = arith.constant 64 : i32
    %dma_start3A_146 = arith.constant 12288 : i32
    %dma_start3A_147 = tpu.memref_slice %arg4[%add3A_75, %dma_start3A_146] : memref<64x16384xf32, #tpu.memory_space<hbm>> -> memref<1x4096xf32, #tpu.memory_space<hbm>>
    %dma_start3A_148 = tpu.memref_squeeze %dma_start3A_147 : memref<1x4096xf32, #tpu.memory_space<hbm>> -> memref<4096xf32, #tpu.memory_space<hbm>>
    %dma_start3A_149 = arith.constant 12288 : i32
    %dma_start3A_150 = tpu.memref_slice %arg4[%add3A_75, %dma_start3A_149] : memref<64x16384xf32, #tpu.memory_space<hbm>> -> memref<1x4096xf32, #tpu.memory_space<hbm>>
    %dma_start3A_151 = tpu.memref_squeeze %dma_start3A_150 : memref<1x4096xf32, #tpu.memory_space<hbm>> -> memref<4096xf32, #tpu.memory_space<hbm>>
    tpu.enqueue_dma source(%arg8 : memref<4096xf32, #tpu.memory_space<vmem>>) target(%dma_start3A_151 : memref<4096xf32, #tpu.memory_space<hbm>>) target_semaphore(%arg10 : memref<!tpu.dma_semaphore, #tpu.memory_space<semaphore_mem>>)
    %dma_wait3A_152 = arith.constant 0 : i32
    %dma_wait3A_153 = arith.constant 0 : i32
    %dma_wait3A_154 = tpu.memref_slice %arg2[%dma_wait3A_152, %dma_wait3A_153] : memref<64x100000xf32, #tpu.memory_space<hbm>> -> memref<1x4096xf32, #tpu.memory_space<hbm>>
    %dma_wait3A_155 = tpu.memref_squeeze %dma_wait3A_154 : memref<1x4096xf32, #tpu.memory_space<hbm>> -> memref<4096xf32, #tpu.memory_space<hbm>>
    %dma_wait3A_156 = arith.constant 0 : i32
    %dma_wait3A_157 = tpu.memref_slice %arg2[%dma_wait3A_152, %dma_wait3A_156] : memref<64x100000xf32, #tpu.memory_space<hbm>> -> memref<1x4096xf32, #tpu.memory_space<hbm>>
    %dma_wait3A_158 = tpu.memref_squeeze %dma_wait3A_157 : memref<1x4096xf32, #tpu.memory_space<hbm>> -> memref<4096xf32, #tpu.memory_space<hbm>>
    tpu.wait_dma2 semaphore(%arg10 : memref<!tpu.dma_semaphore, #tpu.memory_space<semaphore_mem>>) src(%dma_wait3A_158 : memref<4096xf32, #tpu.memory_space<hbm>>) dst(%arg7 : memref<4096xf32, #tpu.memory_space<vmem>>)
    %dma_wait3A_159 = arith.constant 0 : i32
    %dma_wait3A_160 = arith.constant 0 : i32
    %dma_wait3A_161 = tpu.memref_slice %arg2[%dma_wait3A_159, %dma_wait3A_160] : memref<64x100000xf32, #tpu.memory_space<hbm>> -> memref<1x4096xf32, #tpu.memory_space<hbm>>
    %dma_wait3A_162 = tpu.memref_squeeze %dma_wait3A_161 : memref<1x4096xf32, #tpu.memory_space<hbm>> -> memref<4096xf32, #tpu.memory_space<hbm>>
    %dma_wait3A_163 = arith.constant 0 : i32
    %dma_wait3A_164 = tpu.memref_slice %arg2[%dma_wait3A_159, %dma_wait3A_163] : memref<64x100000xf32, #tpu.memory_space<hbm>> -> memref<1x4096xf32, #tpu.memory_space<hbm>>
    %dma_wait3A_165 = tpu.memref_squeeze %dma_wait3A_164 : memref<1x4096xf32, #tpu.memory_space<hbm>> -> memref<4096xf32, #tpu.memory_space<hbm>>
    tpu.wait_dma2 semaphore(%arg10 : memref<!tpu.dma_semaphore, #tpu.memory_space<semaphore_mem>>) src(%dma_wait3A_165 : memref<4096xf32, #tpu.memory_space<hbm>>) dst(%arg8 : memref<4096xf32, #tpu.memory_space<vmem>>)
    return
  }
}

</mosaic_0001>

<sc_bundles>
// kernel: kernel.3.cloned.1.call-start
scs
__scs_entry_jumppad:
0x0: {  	(pc) =	sbr.rel $0x88, $3  }
0x1: {  	(tag) =	ssettag $0x0;
	lr =	simm.s32 $0x1  }
0x2: {  	[smem:$0x3F9F] =	sst lr;
	_ =	strace $0xD0000000  }
0x3: {  	_ = 	snop  }
0x4: {  	_ = 	snop  }
0x5: {  	_ = 	snop  }
0x6: {  	_ = 	snop  }
0x7: {  	_ = 	snop  }
__scs_overlays_trampoline_lowered:
0x8: {  	[smem:$0x3FAE] =	sst s0  }
0x9: {  	[smem:$0x3FAF] =	sst s1  }
0xa: {  	[smem:$0x3FB0] =	sst s2  }
0xb: {  	[smem:$0x3FB1] =	sst s3  }
0xc: {  	[smem:$0x3FB2] =	sst s4  }
0xd: {  	[smem:$0x3FB3] =	sst s5  }
0xe: {  	[smem:$0x3FB4] =	sst s6  }
0xf: {  	[smem:$0x3FB5] =	sst s7  }
0x10: {  	[smem:$0x3FB6] =	sst s8  }
0x11: {  	[smem:$0x3FB7] =	sst s9;
	s0 =	simm.s32 @!p0 $0x0  }
0x12: {  	s1 =	sld [smem:$0x3F9D];
	s0 =	simm.s32 @p0 $0x1  }
0x13: {  	[smem:$0x3FB8] =	sst s0;
	s0 =	simm.s32 @!p1 $0x0  }
0x14: {  	s2 =	sld [smem:$0x3F9C];
	s0 =	simm.s32 @p1 $0x1  }
0x15: {  	[smem:$0x3FB9] =	sst s0;
	s0 =	simm.s32 @!p2 $0x0  }
0x16: {  	s3 =	sld [smem:$0x3FDB];
	s0 =	simm.s32 @p2 $0x1  }
0x17: {  	s4 =	simm.s32 $0x1BF5;
	[smem:$0x3FBB] =	sst s0  }
0x18: {  	s0 =	sld [smem:$0x3F9E];
	_ =	swait.ge [sflag:s4], $0x0  }
0x19: {  	s7 =	sld [smem:$0x3F9F]  }
0x1a: {  	s8 =	sadd.s32 $0xFFFFE003, lr  }
0x1b: {  	s9 =	sadd.s32 $0xFFFFFEF7, lr;
	s5 =	simm.s32 $0xFFFFFFFF;
	p2 =	slt.u32 s8, $0xFFFFF086  }
0x1c: {  	p1 =	slt.u32 s9, $0xF7A;
	s5 =	simm.s32 @!p2 $0x0  }
0x1d: {  	s5 =	simm.s32 @p1 $0x1;
	p0 =	seq.s32 s7, s2  }
0x1e: {  	s7 =	smul.u32 @!p0 $0xF7A, s2;
	p2 =	seq.s32 @!p0 s5, $0x0  }
0x1f: {  	s9 =	smul.u32 $0xF7A, s1;
	s8 =	simm.s32 @!p0 $0x1BF5;
	p2 =	por !p2, p0  }
0x20: {  	[sflag:s8] =	ssyncset.s32 @!p0 $0xFFFFF086;
	s6 =	sadd.s32 @!p0 s3, s7;
	s7 =	simm.s32 @!p0 $0x108  }
0x21: {  	s3 =	sadd.s32 s3, s9;
	s6 =	sadd.s32 @!p0 $0x88, s6;
	s7 =	simm.s32 @p2 $0x1082  }
0x22: {  	[simem:s7], [sflag:s8] =	dma.local @!p0 [hbm:s6], $0xF7A  }
0x23: {  	s9 =	sor.u32 $0xD0000000, s2;
	s6 =	simm.s32 $0x108;
	_ =	swait.ge @!p0 [sflag:s8], $0x0  }
0x24: {  	s3 =	sadd.s32 $0x88, s3;
	s6 =	simm.s32 @!p1 $0x1082;
	[sflag:s4] =	ssyncset.s32 $0xFFFFF086  }
0x25: {  	[simem:s6], [sflag:s4] =	dma.local [hbm:s3], $0xF7A  }
0x26: {  	[smem:$0x3F9F] =	sst s1;
	(tag) =	ssettag s2;
	_ =	strace s9  }
0x27: {  	s1 =	sld [smem:$0x3FAF]  }
0x28: {  	s2 =	sld [smem:$0x3FB0]  }
0x29: {  	s4 =	sld [smem:$0x3FB2]  }
0x2a: {  	p0 =	seq.s32 s5, $0x0;
	s5 =	sld [smem:$0x3FB3]  }
0x2b: {  	s6 =	sld [smem:$0x3FB4]  }
0x2c: {  	s7 =	sld [smem:$0x3FB5]  }
0x2d: {  	s3 =	simm.s32 $0x108;
	s8 =	sld [smem:$0x3FB6]  }
0x2e: {  	s3 =	simm.s32 @!p0 $0x1082;
	s9 =	sld [smem:$0x3FB7]  }
0x2f: {  	lr =	sadd.s32 s0, s3;
	s0 =	sld [smem:$0x3FAE]  }
0x30: {  	s3 =	sld [smem:$0x3FB1]  }
0x31: {  	[smem:$0x3FBA] =	sst s10  }
0x32: {  	s10 =	sld [smem:$0x3FB8];
	_ =	sdelay $0x3  }
0x33: {  	p0 =	seq.s32 s10, $0x1;
	s10 =	sld [smem:$0x3FBA];
	_ =	sdelay $0x3  }
0x34: {  	[smem:$0x3FBA] =	sst s10  }
0x35: {  	s10 =	sld [smem:$0x3FB9];
	_ =	sdelay $0x3  }
0x36: {  	p1 =	seq.s32 s10, $0x1;
	s10 =	sld [smem:$0x3FBA];
	_ =	sdelay $0x3  }
0x37: {  	[smem:$0x3FBA] =	sst s10  }
0x38: {  	s10 =	sld [smem:$0x3FBB]  }
0x39: {  	_ = 	snop;
	(pc) =	sbr.ind lr, $3  }
0x3a: {  	_ = 	snop  }
0x3b: {  	_ = 	snop  }
0x3c: {  	p2 =	seq.s32 s10, $0x1;
	s10 =	sld [smem:$0x3FBA]  }
0x3d: {  	_ =	shalt  }
0x3e: {  	_ =	shalt  }
0x3f: {  	_ =	shalt  }
0x40: {  	_ =	shalt  }
0x41: {  	_ =	shalt  }
0x42: {  	_ =	shalt  }
0x43: {  	_ =	shalt  }
0x44: {  	_ =	shalt  }
0x45: {  	_ =	shalt  }
0x46: {  	_ =	shalt  }
0x47: {  	_ =	shalt  }
0x48: {  	_ =	shalt  }
0x49: {  	_ =	shalt  }
0x4a: {  	_ =	shalt  }
0x4b: {  	_ =	shalt  }
0x4c: {  	_ =	shalt  }
0x4d: {  	_ =	shalt  }
0x4e: {  	_ =	shalt  }
0x4f: {  	_ =	shalt  }
0x50: {  	_ =	shalt  }
0x51: {  	_ =	shalt  }
0x52: {  	_ =	shalt  }
0x53: {  	_ =	shalt  }
0x54: {  	_ =	shalt  }
0x55: {  	_ =	shalt  }
0x56: {  	_ =	shalt  }
0x57: {  	_ =	shalt  }
0x58: {  	_ =	shalt  }
0x59: {  	_ =	shalt  }
0x5a: {  	_ =	shalt  }
0x5b: {  	_ =	shalt  }
0x5c: {  	_ =	shalt  }
0x5d: {  	_ =	shalt  }
0x5e: {  	_ =	shalt  }
0x5f: {  	_ =	shalt  }
0x60: {  	_ =	shalt  }
0x61: {  	_ =	shalt  }
0x62: {  	_ =	shalt  }
0x63: {  	_ =	shalt  }
0x64: {  	_ =	shalt  }
0x65: {  	_ =	shalt  }
0x66: {  	_ =	shalt  }
0x67: {  	_ =	shalt  }
0x68: {  	_ =	shalt  }
0x69: {  	_ =	shalt  }
0x6a: {  	_ =	shalt  }
0x6b: {  	_ =	shalt  }
0x6c: {  	_ =	shalt  }
0x6d: {  	_ =	shalt  }
0x6e: {  	_ =	shalt  }
0x6f: {  	_ =	shalt  }
0x70: {  	_ =	shalt  }
0x71: {  	_ =	shalt  }
0x72: {  	_ =	shalt  }
0x73: {  	_ =	shalt  }
0x74: {  	_ =	shalt  }
0x75: {  	_ =	shalt  }
0x76: {  	_ =	shalt  }
0x77: {  	_ =	shalt  }
0x78: {  	_ =	shalt  }
0x79: {  	_ =	shalt  }
0x7a: {  	_ =	shalt  }
0x7b: {  	_ =	shalt  }
0x7c: {  	_ =	shalt  }
0x7d: {  	_ =	shalt  }
0x7e: {  	_ =	shalt  }
0x7f: {  	_ =	shalt  }
0x80: {  	_ =	shalt  }
0x81: {  	_ =	shalt  }
0x82: {  	_ =	shalt  }
0x83: {  	_ =	shalt  }
0x84: {  	_ =	shalt  }
0x85: {  	_ =	shalt  }
0x86: {  	_ =	shalt  }
0x87: {  	_ =	shalt  }
.Lfunc_end0:
.L_simem_size_0:
called_computation_lowered:
.L_overlay_start_0:
0x88: {  	s2 =	sld [smem:$0x3FD9]  }
0x89: {  	s3 =	sld [smem:$0x3FFE];
	_ =	sdelay $0x1  }
0x8a: {  	s1 =	srdreg.scid  }
0x8b: {  	s0 =	sand.u32 $0x1, s1  }
0x8c: {  	s18 =	sshll.u32 s0, $0xA;
	s2 =	sadd.s32 s3, s2  }
0x8d: {  	s2 =	sadd.s32 s2, s18  }
0x8e: {  	[smem:$0x3FC6] =	sst s2  }
0x8f: {  	_ = 	snop  }
0x90: {  	s2 =	sld [smem:$0x3FC9]  }
0x91: {  	s19 =	sld [smem:$0x3FC8]  }
0x92: {  	s4 =	sld [smem:$0x3FD0];
	(tm) =	ssettm $0x1  }
0x93: {  	s5 =	sld [smem:$0x3FFB];
	_ =	sdelay $0x3  }
0x94: {  	_ =	strace s5  }
0x95: {  	s5 =	sld [smem:$0x3FFC];
	_ =	sdelay $0x3  }
0x96: {  	_ =	strace s5  }
0x97: {  	s5 =	sld [smem:$0x3FFD];
	_ =	sdelay $0x3  }
0x98: {  	_ =	strace s5  }
0x99: {  	_ =	strace $0x8FFFFFFF  }
0x9a: {  	s20 =	sld [smem:$0x3FDB];
	_ =	sdelay $0x1  }
0x9b: {  	s6 =	simm.s32 $_scs_section_size  }
0x9c: {  	s7 =	simm.s32 $_size__tile_overlayer_lowered;
	s8 =	simm.s32 $_tile_overlayer_lowered  }
0x9d: {  	s23 =	simm.s32 $0x1BFF;
	s22 =	sshll.u32 s8, $0x1;
	s5 =	sadd.s32 s6, s20  }
0x9e: {  	s9 =	simm.s32 $0x0;
	s21 =	sshll.u32 s7, $0x1;
	s7 =	sadd.s32 s22, s5  }
0x9f: {  	[timem:s9], [sflag:s23] =	dma.local [hbm:s7], s21  }
0xa0: {  	_ =	swait.ge [sflag:s23], s21  }
0xa1: {  	s6 =	ssub.s32 $0x0, s21;
	[sflag:s23] =	ssyncset.done $0x0  }
0xa2: {  	[sflag:s23] =	ssyncadd.s32 s6;
	_ =	sdelay $0x1  }
0xa3: {  	s24 =	simm.s32 $0x1B8B  }
0xa4: {  	_ =	swait.ge [sflag:s24], $0x1  }
0xa5: {  	[sflag:s24] =	ssyncset.done $0x0  }
0xa6: {  	s25 =	simm.s32 $0x1B8E;
	[sflag:s24] =	ssyncadd.s32 $0xFFFFFFFF  }
0xa7: {  	s26 =	simm.s32 $execute0_lowered;
	[smem:$0x3FD2] =	sst s25  }
0xa8: {  	s6 =	sshll.u32 s26, $0x1;
	_ =	strace $0x80000046;
	[dreg:$0x1] =	wrdreg $0xFFFFFFFF  }
0xa9: {  	s28 =	simm.s32 $_size_execute0_lowered;
	s5 =	sadd.s32 s5, s6;
	[dreg:$0x0] =	wrdreg $0x0  }
0xaa: {  	s6 =	sshll.u32 s28, $0x1;
	[dreg:$0x2] =	wrdreg s5  }
0xab: {  	[dreg:$0x3] =	wrdreg s6  }
0xac: {  	[dreg:$0x4] =	wrdreg $0xC0  }
0xad: {  	_ =	task [dreg:s9], $0x5FFFF  }
0xae: {  	[dreg:$0x1] =	wrdreg $0xFFFFFFFF  }
0xaf: {  	[dreg:$0x0] =	wrdreg $0x60  }
0xb0: {  	[dreg:$0x2] =	wrdreg s19  }
0xb1: {  	[dreg:$0x3] =	wrdreg s2  }
0xb2: {  	[dreg:$0x4] =	wrdreg s4  }
0xb3: {  	[dreg:$0x5] =	wrdreg $0x9  }
0xb4: {  	_ =	task.clear_ibuf [dreg:s9], $0x6FFFF;
	_ =	strace $0x90000046  }
0xb5: {  	s29 =	simm.s32 $0x9;
	_ =	strace $0x80000048  }
0xb6: {  	_ =	swait.ge [sflag:s29], $0x1  }
0xb7: {  	[sflag:s29] =	ssyncadd.s32 $0xFFFFFFFF  }
0xb8: {  	_ =	strace $0x90000048  }
0xb9: {  	_ =	sfence  }
0xba: {  	s30 =	sld [smem:$0x0];
	_ =	sdelay $0x2  }
0xbb: {  	s31 =	sshll.u32 s1, $0xD;
	s1 =	sshrl.u32 s1, $0x2  }
0xbc: {  	s3 =	sand.u32 $0x4000, s31;
	s1 =	sadd.s32 s1, s30  }
0xbd: {  	s0 =	sor.u32 s3, s0;
	s1 =	sshll.u32 s1, $0x11  }
0xbe: {  	s0 =	sor.u32 s1, s0  }
0xbf: {  	s0 =	sadd.s32 $0x8F2B, s0  }
0xc0: {  	[sflag:s0] =	ssyncadd.remote.s32 $0x1  }
0xc1: {  	_ =	sfence.sel $0xFFFF  }
0xc2: {  	[dreg:$0x0] =	wrdreg $0xFFFFFFFF;
	(pc) =	sbr.abs _section_cstart, $3  }
0xc3: {  	[dreg:$0x1] =	wrdreg $0xFFFFFFFF  }
0xc4: {  	_ =	task.clear_ibuf [dreg:s9], $0x2FFFF;
	_ =	strace $0x9FFFFFFF  }
0xc5: {  	(tm) =	ssettm $0x7FFFFFFF  }
tec
execute0_lowered:
.L_overlay_start_1:
0x0: {  	(tag) =	ssettag $0x1  }
0x1: {  	s9 =	rddreg [dreg:$0x0]  }
0x2: {  	s1 =	rddreg [dreg:$0x1]  }
0x3: {  	s10 =	rddreg [dreg:$0x2]  }
0x4: {  	s0 =	rddreg [dreg:$0x3];
	s3 =	simm.s32 $0x0;
	s4 =	srdreg.scid  }
0x5: {  	s2 =	stileid.u32;
	s18 =	simm.s32 $0x1;
	s19 =	simm.s32 $0x1C700  }
0x6: {  	s20 =	simm.s32 $0x1D700;
	s21 =	simm.s32 $0x2;
	s22 =	simm.s32 $0x3  }
0x7: {  	s23 =	simm.s32 $0x0;
	[smem:$0x7FF] =	sst s3;
	s4 =	sand.u32 $0x1, s4  }
0x8: {  	s6 =	sshrl.u32 s2, $0x2;
	s5 =	sshll.u32 s2, $0x8;
	s13 =	sadd.s32 $0x1000, s10  }
0x9: {  	s15 =	sadd.s32 $0x2000, s10;
	s17 =	sadd.s32 $0x3000, s10;
	_ =	strace $0x80000047  }
0xa: {  	s7 =	sshll.u32 s4, $0x7;
	s5 =	sand.u32 $0x300, s5;
	s8 =	smul.u32 $0xC3800, s6  }
0xb: {  	s4 =	ssub.s32 $0x2, s4;
	s25 =	sshll.u32 s6, $0x11;
	s12 =	sor.u32 $0x4, s6  }
0xc: {  	s11 =	sor.u32 s7, s5;
	s26 =	sshrl.u32 s4, $0x1;
	s16 =	smul.u32 $0xC3800, s12  }
0xd: {  	s12 =	sshll.u32 s12, $0x11;
	s8 =	sor.u32 s8, s11;
	s5 =	sor.u32 s25, s11  }
0xe: {  	s14 =	ssub.s32 s4, s26;
	s28 =	sshrl.u32 s8, $0x3;
	s29 =	sshrl.u32 s5, $0x3  }
0xf: {  	s16 =	sor.u32 s11, s16;
	s11 =	sor.u32 s11, s12;
	s14 =	smax.u32 s14, $0x1  }
0x10: {  	s4 =	sadd.s32 s9, s28;
	s5 =	sadd.s32 s10, s29;
	s6 =	sadd.s32 s29, s13  }
0x11: {  	s7 =	sadd.s32 s29, s15;
	s8 =	sadd.s32 s29, s17;
	s30 =	sshrl.u32 s16, $0x3  }
0x12: {  	s31 =	sshrl.u32 s11, $0x3;
	s16 =	simm.s32 $0x80;
	s9 =	sadd.s32 s9, s30  }
0x13: {  	s10 =	sadd.s32 s10, s31;
	s11 =	sadd.s32 s31, s13;
	s12 =	sadd.s32 s31, s15  }
0x14: {  	s13 =	sadd.s32 s31, s17;
	s15 =	simm.s32 $0x18700;
	s17 =	simm.s32 $0x400  }
.LBB2_1:
0x15: {  	[tilespmem:s15], [sflag:$0x1] =	stream.linear.gather [hbm4b:s1+s3], $0x4000, $0x38;
	[tilespmem:$0x1E700] =	vst v63  }
0x16: {  	_ = 	snop  }
0x17: {  	[tilespmem:s3], [sflag:$0x1] =	stream.strided.gather [hbm4b:s4+s16], $0x18700, s17, s16, $0x38;
	[tilespmem:$0x1E700] =	vst v63  }
0x18: {  	_ =	swait.ge [sflag:s18], $0x4000  }
0x19: {  	[sflag:s18] =	ssyncset.done $0x0  }
0x1a: {  	[sflag:s18] =	ssyncadd.s32 $0xFFFFC000  }
0x1b: {  	_ =	swait.ge [sflag:s18], $0x18700  }
0x1c: {  	[sflag:s18] =	ssyncset.done $0x0  }
0x1d: {  	s25 =	simm.s32 $0x0;
	[sflag:s18] =	ssyncadd.s32 $0xFFFE7900  }
0x1e: {  	v6 =	vld [tilespmem:s25+$0x18700]  }
0x1f: {  	v1 =	vld [tilespmem:s25+$0x18720]  }
0x20: {  	v2 =	vld [tilespmem:s25+$0x18730]  }
0x21: {  	v0 =	vld [tilespmem:s25+$0x18710]  }
0x22: {  	s24 =	simm.s32 $0x40  }
0x23: {  	v3 =	vld [tilespmem:s24+$0x18720]  }
0x24: {  	v5 =	vld [tilespmem:s24+$0x18700]  }
0x25: {  	v4 =	vld [tilespmem:s24+$0x18730]  }
0x26: {  	s26 =	simm.s32 $0x200;
	v6 =	vld.idx.msk [tilespmem:v6+s3+$0x0], $0xffff  }
.LBB2_2:
0x27: {  	p0 =	sne.s32 s26, $0x3F00;
	v7 =	vld.idx.msk [tilespmem:v1+s3+$0x0], $0xffff;
	s28 =	smov.u32 s26;
	s26 =	sadd.s32 $0x100, s26  }
0x28: {  	v8 =	vld.idx.msk [tilespmem:v2+s3+$0x0], $0xffff;
	v1 =	vmov v3  }
0x29: {  	v9 =	vld.idx.msk [tilespmem:v0+s3+$0x0], $0xffff;
	v10 =	vmov v5  }
0x2a: {  	v0 =	vld [tilespmem:s24+$0x18710];
	v2 =	vmov v4;
	_ =	sdelay $0x1  }
.Ltmp0:
0x2b: {  	s28 =	sshra.s32 s28, $0x2;
	[tilespmem:s25+$0x1C700] =	vst v6;
	(pc) =	sbr.rel @p0 .LBB2_2-.Ltmp0, $4  }
0x2c: {  	v3 =	vld [tilespmem:s28+$0x18720];
	[tilespmem:s25+$0x1C720] =	vst v7  }
0x2d: {  	v5 =	vld [tilespmem:s28+$0x18700];
	[tilespmem:s25+$0x1C730] =	vst v8  }
0x2e: {  	v4 =	vld [tilespmem:s28+$0x18730];
	[tilespmem:s25+$0x1C710] =	vst v9;
	s25 =	smov.u32 s24;
	s24 =	smov.u32 s28  }
0x2f: {  	v6 =	vld.idx.msk [tilespmem:v10+s3+$0x0], $0xffff  }
0x30: {  	_ =	sdelay $0x3  }
0x31: {  	v1 =	vld.idx.msk [tilespmem:v1+s3+$0x0], $0xffff  }
0x32: {  	v2 =	vld.idx.msk [tilespmem:v2+s3+$0x0], $0xffff  }
0x33: {  	v0 =	vld.idx.msk [tilespmem:v0+s3+$0x0], $0xffff  }
0x34: {  	v7 =	vld [tilespmem:s24+$0x18710]  }
0x35: {  	[tilespmem:s25+$0x1C700] =	vst v6  }
0x36: {  	[tilespmem:s25+$0x1C720] =	vst v1  }
0x37: {  	[tilespmem:s25+$0x1C730] =	vst v2  }
0x38: {  	[tilespmem:s25+$0x1C710] =	vst v0  }
0x39: {  	v0 =	vld.idx.msk [tilespmem:v5+s3+$0x0], $0xffff  }
0x3a: {  	v1 =	vld.idx.msk [tilespmem:v3+s3+$0x0], $0xffff  }
0x3b: {  	v2 =	vld.idx.msk [tilespmem:v4+s3+$0x0], $0xffff  }
0x3c: {  	v3 =	vld.idx.msk [tilespmem:v7+s3+$0x0], $0xffff;
	_ =	sdelay $0x1  }
0x3d: {  	[tilespmem:s24+$0x1C700] =	vst v0  }
0x3e: {  	[tilespmem:s24+$0x1C720] =	vst v1  }
0x3f: {  	[tilespmem:s24+$0x1C730] =	vst v2  }
0x40: {  	[tilespmem:s24+$0x1C710] =	vst v3;
	s24 =	simm.s32 $0x19730  }
0x41: {  	[hbm4b:s5+s16] =	stream.strided.scatter [tilespmem:s19], [sflag:$0x2], $0x1000, s17, s16, $0x38;
	[tilespmem:$0x1E700] =	vst v63  }
0x42: {  	v0 =	vld [tilespmem:s24+$0x0]  }
0x43: {  	s31 =	simm.s32 $0x0;
	v1 =	vld [tilespmem:s24+$0xFFFFFFF0]  }
0x44: {  	s25 =	sand.u32 $0xFC0, s31;
	v2 =	vld [tilespmem:s24+$0xFFFFFFE0]  }
0x45: {  	v3 =	vld [tilespmem:s25+$0x19700];
	_ =	sdelay $0x4  }
0x46: {  	v63 =	vld.idx.msk [tilespmem:v0+s3+$0x0], $0xffff  }
0x47: {  	v1 =	vld.idx.msk [tilespmem:v1+s3+$0x0], $0xffff  }
0x48: {  	v2 =	vld.idx.msk [tilespmem:v2+s3+$0x0], $0xffff  }
0x49: {  	v0 =	vld.idx.msk [tilespmem:v3+s3+$0x0], $0xffff  }
0x4a: {  	s25 =	simm.s32 $0x1D720  }
0x4b: {  	[tilespmem:s25+$0x10] =	vst v63  }
0x4c: {  	[tilespmem:s25+$0x0] =	vst v1  }
0x4d: {  	s26 =	simm.s32 $0x40;
	[tilespmem:s25+$0xFFFFFFF0] =	vst v2  }
.LBB2_4:
0x4e: {  	p0 =	sne.s32 s26, $0xFC0;
	[tilespmem:s25+$0xFFFFFFE0] =	vst v0;
	s24 =	sadd.s32 $0x40, s24;
	s25 =	sadd.s32 $0x40, s25  }
0x4f: {  	s28 =	smov.u32 s26;
	s26 =	sadd.s32 $0x40, s26;
	v0 =	vld [tilespmem:s24+$0x0]  }
0x50: {  	v1 =	vld [tilespmem:s24+$0xFFFFFFF0]  }
0x51: {  	s28 =	sand.u32 $0xFC0, s28;
	v2 =	vld [tilespmem:s24+$0xFFFFFFE0]  }
0x52: {  	v3 =	vld [tilespmem:s28+$0x19700];
	_ =	sdelay $0x4  }
0x53: {  	v4 =	vld.idx.msk [tilespmem:v0+s3+$0x0], $0xffff  }
0x54: {  	v1 =	vld.idx.msk [tilespmem:v1+s3+$0x0], $0xffff  }
0x55: {  	v2 =	vld.idx.msk [tilespmem:v2+s3+$0x0], $0xffff  }
0x56: {  	v0 =	vld.idx.msk [tilespmem:v3+s3+$0x0], $0xffff  }
.Ltmp1:
0x57: {  	(pc) =	sbr.rel @p0 .LBB2_4-.Ltmp1, $4  }
0x58: {  	_ = 	snop  }
0x59: {  	[tilespmem:s25+$0x10] =	vst v4  }
0x5a: {  	[tilespmem:s25+$0x0] =	vst v1  }
0x5b: {  	[tilespmem:s25+$0xFFFFFFF0] =	vst v2  }
0x5c: {  	[tilespmem:s25+$0xFFFFFFE0] =	vst v0  }
0x5d: {  	[hbm4b:s6+s16] =	stream.strided.scatter [tilespmem:s20], [sflag:$0x2], $0x1000, s17, s16, $0x38;
	[tilespmem:$0x1E700] =	vst v63  }
0x5e: {  	_ =	swait.ge [sflag:s21], $0x1000  }
0x5f: {  	[sflag:s21] =	ssyncset.done $0x0  }
0x60: {  	s24 =	simm.s32 $0x1A730;
	[sflag:s21] =	ssyncadd.s32 $0xFFFFF000  }
0x61: {  	v0 =	vld [tilespmem:s24+$0x0]  }
0x62: {  	s31 =	simm.s32 $0x0;
	v1 =	vld [tilespmem:s24+$0xFFFFFFF0]  }
0x63: {  	s25 =	sand.u32 $0xFC0, s31;
	v2 =	vld [tilespmem:s24+$0xFFFFFFE0]  }
0x64: {  	v3 =	vld [tilespmem:s25+$0x1A700];
	_ =	sdelay $0x4  }
0x65: {  	v4 =	vld.idx.msk [tilespmem:v0+s3+$0x0], $0xffff  }
0x66: {  	v1 =	vld.idx.msk [tilespmem:v1+s3+$0x0], $0xffff  }
0x67: {  	v2 =	vld.idx.msk [tilespmem:v2+s3+$0x0], $0xffff  }
0x68: {  	v0 =	vld.idx.msk [tilespmem:v3+s3+$0x0], $0xffff  }
0x69: {  	s25 =	simm.s32 $0x1C720  }
0x6a: {  	[tilespmem:s25+$0x10] =	vst v4  }
0x6b: {  	[tilespmem:s25+$0x0] =	vst v1  }
0x6c: {  	s26 =	simm.s32 $0x40;
	[tilespmem:s25+$0xFFFFFFF0] =	vst v2  }
.LBB2_6:
0x6d: {  	p0 =	sne.s32 s26, $0xFC0;
	[tilespmem:s25+$0xFFFFFFE0] =	vst v0;
	s24 =	sadd.s32 $0x40, s24;
	s25 =	sadd.s32 $0x40, s25  }
0x6e: {  	s28 =	smov.u32 s26;
	s26 =	sadd.s32 $0x40, s26;
	v0 =	vld [tilespmem:s24+$0x0]  }
0x6f: {  	v1 =	vld [tilespmem:s24+$0xFFFFFFF0]  }
0x70: {  	s28 =	sand.u32 $0xFC0, s28;
	v2 =	vld [tilespmem:s24+$0xFFFFFFE0]  }
0x71: {  	v3 =	vld [tilespmem:s28+$0x1A700];
	_ =	sdelay $0x4  }
0x72: {  	v4 =	vld.idx.msk [tilespmem:v0+s3+$0x0], $0xffff  }
0x73: {  	v1 =	vld.idx.msk [tilespmem:v1+s3+$0x0], $0xffff  }
0x74: {  	v2 =	vld.idx.msk [tilespmem:v2+s3+$0x0], $0xffff  }
0x75: {  	v0 =	vld.idx.msk [tilespmem:v3+s3+$0x0], $0xffff  }
.Ltmp2:
0x76: {  	(pc) =	sbr.rel @p0 .LBB2_6-.Ltmp2, $4  }
0x77: {  	_ = 	snop  }
0x78: {  	[tilespmem:s25+$0x10] =	vst v4  }
0x79: {  	[tilespmem:s25+$0x0] =	vst v1  }
0x7a: {  	[tilespmem:s25+$0xFFFFFFF0] =	vst v2  }
0x7b: {  	[tilespmem:s25+$0xFFFFFFE0] =	vst v0  }
0x7c: {  	[hbm4b:s7+s16] =	stream.strided.scatter [tilespmem:s19], [sflag:$0x2], $0x1000, s17, s16, $0x38;
	[tilespmem:$0x1E700] =	vst v63  }
0x7d: {  	_ =	swait.ge [sflag:s21], $0x1000  }
0x7e: {  	[sflag:s21] =	ssyncset.done $0x0  }
0x7f: {  	s24 =	simm.s32 $0x1B730;
	[sflag:s21] =	ssyncadd.s32 $0xFFFFF000  }
0x80: {  	v0 =	vld [tilespmem:s24+$0x0]  }
0x81: {  	s31 =	simm.s32 $0x0;
	v1 =	vld [tilespmem:s24+$0xFFFFFFF0]  }
0x82: {  	s25 =	sand.u32 $0xFC0, s31;
	v2 =	vld [tilespmem:s24+$0xFFFFFFE0]  }
0x83: {  	v3 =	vld [tilespmem:s25+$0x1B700];
	_ =	sdelay $0x4  }
0x84: {  	v4 =	vld.idx.msk [tilespmem:v0+s3+$0x0], $0xffff  }
0x85: {  	v1 =	vld.idx.msk [tilespmem:v1+s3+$0x0], $0xffff  }
0x86: {  	v2 =	vld.idx.msk [tilespmem:v2+s3+$0x0], $0xffff  }
0x87: {  	v0 =	vld.idx.msk [tilespmem:v3+s3+$0x0], $0xffff  }
0x88: {  	s25 =	simm.s32 $0x1D720  }
0x89: {  	[tilespmem:s25+$0x10] =	vst v4  }
0x8a: {  	[tilespmem:s25+$0x0] =	vst v1  }
0x8b: {  	s26 =	simm.s32 $0x40;
	[tilespmem:s25+$0xFFFFFFF0] =	vst v2  }
.LBB2_8:
0x8c: {  	p0 =	sne.s32 s26, $0xFC0;
	[tilespmem:s25+$0xFFFFFFE0] =	vst v0;
	s24 =	sadd.s32 $0x40, s24;
	s25 =	sadd.s32 $0x40, s25  }
0x8d: {  	s28 =	smov.u32 s26;
	s26 =	sadd.s32 $0x40, s26;
	v0 =	vld [tilespmem:s24+$0x0]  }
0x8e: {  	v1 =	vld [tilespmem:s24+$0xFFFFFFF0]  }
0x8f: {  	s28 =	sand.u32 $0xFC0, s28;
	v2 =	vld [tilespmem:s24+$0xFFFFFFE0]  }
0x90: {  	v3 =	vld [tilespmem:s28+$0x1B700];
	_ =	sdelay $0x4  }
0x91: {  	v4 =	vld.idx.msk [tilespmem:v0+s3+$0x0], $0xffff  }
0x92: {  	v1 =	vld.idx.msk [tilespmem:v1+s3+$0x0], $0xffff  }
0x93: {  	v2 =	vld.idx.msk [tilespmem:v2+s3+$0x0], $0xffff  }
0x94: {  	v0 =	vld.idx.msk [tilespmem:v3+s3+$0x0], $0xffff  }
.Ltmp3:
0x95: {  	(pc) =	sbr.rel @p0 .LBB2_8-.Ltmp3, $4  }
0x96: {  	_ = 	snop  }
0x97: {  	[tilespmem:s25+$0x10] =	vst v4  }
0x98: {  	[tilespmem:s25+$0x0] =	vst v1  }
0x99: {  	[tilespmem:s25+$0xFFFFFFF0] =	vst v2  }
0x9a: {  	[tilespmem:s25+$0xFFFFFFE0] =	vst v0  }
0x9b: {  	[hbm4b:s8+s16] =	stream.strided.scatter [tilespmem:s20], [sflag:$0x2], $0x1000, s17, s16, $0x38;
	[tilespmem:$0x1E700] =	vst v63  }
0x9c: {  	s24 =	simm.s32 $0x0  }
0x9d: {  	[tilespmem:s24], [sflag:$0x3] =	stream.strided.gather [hbm4b:s9+s16], $0x18700, s17, s16, $0x38;
	[tilespmem:$0x1E700] =	vst v63  }
0x9e: {  	_ =	swait.ge [sflag:s22], $0x18700  }
0x9f: {  	[sflag:s22] =	ssyncset.done $0x0  }
0xa0: {  	[sflag:s22] =	ssyncadd.s32 $0xFFFE7900  }
0xa1: {  	_ =	swait.ge [sflag:s21], $0x1000  }
0xa2: {  	[sflag:s21] =	ssyncset.done $0x0  }
0xa3: {  	s25 =	simm.s32 $0x0;
	[sflag:s21] =	ssyncadd.s32 $0xFFFFF000  }
0xa4: {  	v6 =	vld [tilespmem:s25+$0x18700]  }
0xa5: {  	v1 =	vld [tilespmem:s25+$0x18720]  }
0xa6: {  	v2 =	vld [tilespmem:s25+$0x18730]  }
0xa7: {  	v0 =	vld [tilespmem:s25+$0x18710]  }
0xa8: {  	s24 =	simm.s32 $0x40  }
0xa9: {  	v3 =	vld [tilespmem:s24+$0x18720]  }
0xaa: {  	v5 =	vld [tilespmem:s24+$0x18700]  }
0xab: {  	v4 =	vld [tilespmem:s24+$0x18730]  }
0xac: {  	s26 =	simm.s32 $0x200;
	v6 =	vld.idx.msk [tilespmem:v6+s3+$0x0], $0xffff  }
.LBB2_10:
0xad: {  	p0 =	sne.s32 s26, $0x3F00;
	v7 =	vld.idx.msk [tilespmem:v1+s3+$0x0], $0xffff;
	s28 =	smov.u32 s26;
	s26 =	sadd.s32 $0x100, s26  }
0xae: {  	v8 =	vld.idx.msk [tilespmem:v2+s3+$0x0], $0xffff;
	v1 =	vmov v3  }
0xaf: {  	v9 =	vld.idx.msk [tilespmem:v0+s3+$0x0], $0xffff;
	v10 =	vmov v5  }
0xb0: {  	v0 =	vld [tilespmem:s24+$0x18710];
	v2 =	vmov v4;
	_ =	sdelay $0x1  }
.Ltmp4:
0xb1: {  	s28 =	sshra.s32 s28, $0x2;
	[tilespmem:s25+$0x1C700] =	vst v6;
	(pc) =	sbr.rel @p0 .LBB2_10-.Ltmp4, $4  }
0xb2: {  	v3 =	vld [tilespmem:s28+$0x18720];
	[tilespmem:s25+$0x1C720] =	vst v7  }
0xb3: {  	v5 =	vld [tilespmem:s28+$0x18700];
	[tilespmem:s25+$0x1C730] =	vst v8  }
0xb4: {  	v4 =	vld [tilespmem:s28+$0x18730];
	[tilespmem:s25+$0x1C710] =	vst v9;
	s25 =	smov.u32 s24;
	s24 =	smov.u32 s28  }
0xb5: {  	v6 =	vld.idx.msk [tilespmem:v10+s3+$0x0], $0xffff  }
0xb6: {  	_ =	sdelay $0x3  }
0xb7: {  	v1 =	vld.idx.msk [tilespmem:v1+s3+$0x0], $0xffff  }
0xb8: {  	v2 =	vld.idx.msk [tilespmem:v2+s3+$0x0], $0xffff  }
0xb9: {  	v0 =	vld.idx.msk [tilespmem:v0+s3+$0x0], $0xffff  }
0xba: {  	v7 =	vld [tilespmem:s24+$0x18710]  }
0xbb: {  	[tilespmem:s25+$0x1C700] =	vst v6  }
0xbc: {  	[tilespmem:s25+$0x1C720] =	vst v1  }
0xbd: {  	[tilespmem:s25+$0x1C730] =	vst v2  }
0xbe: {  	[tilespmem:s25+$0x1C710] =	vst v0  }
0xbf: {  	v0 =	vld.idx.msk [tilespmem:v5+s3+$0x0], $0xffff  }
0xc0: {  	v1 =	vld.idx.msk [tilespmem:v3+s3+$0x0], $0xffff  }
0xc1: {  	v2 =	vld.idx.msk [tilespmem:v4+s3+$0x0], $0xffff  }
0xc2: {  	v3 =	vld.idx.msk [tilespmem:v7+s3+$0x0], $0xffff;
	_ =	sdelay $0x1  }
0xc3: {  	[tilespmem:s24+$0x1C700] =	vst v0  }
0xc4: {  	[tilespmem:s24+$0x1C720] =	vst v1  }
0xc5: {  	[tilespmem:s24+$0x1C730] =	vst v2  }
0xc6: {  	[tilespmem:s24+$0x1C710] =	vst v3  }
0xc7: {  	[hbm4b:s10+s16] =	stream.strided.scatter [tilespmem:s19], [sflag:$0x2], $0x1000, s17, s16, $0x38;
	[tilespmem:$0x1E700] =	vst v63  }
0xc8: {  	_ =	swait.ge [sflag:s21], $0x1000  }
0xc9: {  	[sflag:s21] =	ssyncset.done $0x0  }
0xca: {  	s24 =	simm.s32 $0x19730;
	[sflag:s21] =	ssyncadd.s32 $0xFFFFF000  }
0xcb: {  	v0 =	vld [tilespmem:s24+$0x0]  }
0xcc: {  	s31 =	simm.s32 $0x0;
	v1 =	vld [tilespmem:s24+$0xFFFFFFF0]  }
0xcd: {  	s25 =	sand.u32 $0xFC0, s31;
	v2 =	vld [tilespmem:s24+$0xFFFFFFE0]  }
0xce: {  	v3 =	vld [tilespmem:s25+$0x19700];
	_ =	sdelay $0x4  }
0xcf: {  	v63 =	vld.idx.msk [tilespmem:v0+s3+$0x0], $0xffff  }
0xd0: {  	v1 =	vld.idx.msk [tilespmem:v1+s3+$0x0], $0xffff  }
0xd1: {  	v2 =	vld.idx.msk [tilespmem:v2+s3+$0x0], $0xffff  }
0xd2: {  	v0 =	vld.idx.msk [tilespmem:v3+s3+$0x0], $0xffff  }
0xd3: {  	s25 =	simm.s32 $0x1D720  }
0xd4: {  	[tilespmem:s25+$0x10] =	vst v63  }
0xd5: {  	[tilespmem:s25+$0x0] =	vst v1  }
0xd6: {  	s26 =	simm.s32 $0x40;
	[tilespmem:s25+$0xFFFFFFF0] =	vst v2  }
.LBB2_12:
0xd7: {  	p0 =	sne.s32 s26, $0xFC0;
	[tilespmem:s25+$0xFFFFFFE0] =	vst v0;
	s24 =	sadd.s32 $0x40, s24;
	s25 =	sadd.s32 $0x40, s25  }
0xd8: {  	s28 =	smov.u32 s26;
	s26 =	sadd.s32 $0x40, s26;
	v0 =	vld [tilespmem:s24+$0x0]  }
0xd9: {  	v1 =	vld [tilespmem:s24+$0xFFFFFFF0]  }
0xda: {  	s28 =	sand.u32 $0xFC0, s28;
	v2 =	vld [tilespmem:s24+$0xFFFFFFE0]  }
0xdb: {  	v3 =	vld [tilespmem:s28+$0x19700];
	_ =	sdelay $0x4  }
0xdc: {  	v4 =	vld.idx.msk [tilespmem:v0+s3+$0x0], $0xffff  }
0xdd: {  	v1 =	vld.idx.msk [tilespmem:v1+s3+$0x0], $0xffff  }
0xde: {  	v2 =	vld.idx.msk [tilespmem:v2+s3+$0x0], $0xffff  }
0xdf: {  	v0 =	vld.idx.msk [tilespmem:v3+s3+$0x0], $0xffff  }
.Ltmp5:
0xe0: {  	(pc) =	sbr.rel @p0 .LBB2_12-.Ltmp5, $4  }
0xe1: {  	_ = 	snop  }
0xe2: {  	[tilespmem:s25+$0x10] =	vst v4  }
0xe3: {  	[tilespmem:s25+$0x0] =	vst v1  }
0xe4: {  	[tilespmem:s25+$0xFFFFFFF0] =	vst v2  }
0xe5: {  	[tilespmem:s25+$0xFFFFFFE0] =	vst v0  }
0xe6: {  	[hbm4b:s11+s16] =	stream.strided.scatter [tilespmem:s20], [sflag:$0x2], $0x1000, s17, s16, $0x38;
	[tilespmem:$0x1E700] =	vst v63  }
0xe7: {  	_ =	swait.ge [sflag:s21], $0x1000  }
0xe8: {  	[sflag:s21] =	ssyncset.done $0x0  }
0xe9: {  	s24 =	simm.s32 $0x1A730;
	[sflag:s21] =	ssyncadd.s32 $0xFFFFF000  }
0xea: {  	v0 =	vld [tilespmem:s24+$0x0]  }
0xeb: {  	s31 =	simm.s32 $0x0;
	v1 =	vld [tilespmem:s24+$0xFFFFFFF0]  }
0xec: {  	s25 =	sand.u32 $0xFC0, s31;
	v2 =	vld [tilespmem:s24+$0xFFFFFFE0]  }
0xed: {  	v3 =	vld [tilespmem:s25+$0x1A700];
	_ =	sdelay $0x4  }
0xee: {  	v4 =	vld.idx.msk [tilespmem:v0+s3+$0x0], $0xffff  }
0xef: {  	v1 =	vld.idx.msk [tilespmem:v1+s3+$0x0], $0xffff  }
0xf0: {  	v2 =	vld.idx.msk [tilespmem:v2+s3+$0x0], $0xffff  }
0xf1: {  	v0 =	vld.idx.msk [tilespmem:v3+s3+$0x0], $0xffff  }
0xf2: {  	s25 =	simm.s32 $0x1C720  }
0xf3: {  	[tilespmem:s25+$0x10] =	vst v4  }
0xf4: {  	[tilespmem:s25+$0x0] =	vst v1  }
0xf5: {  	s26 =	simm.s32 $0x40;
	[tilespmem:s25+$0xFFFFFFF0] =	vst v2  }
.LBB2_14:
0xf6: {  	p0 =	sne.s32 s26, $0xFC0;
	[tilespmem:s25+$0xFFFFFFE0] =	vst v0;
	s24 =	sadd.s32 $0x40, s24;
	s25 =	sadd.s32 $0x40, s25  }
0xf7: {  	s28 =	smov.u32 s26;
	s26 =	sadd.s32 $0x40, s26;
	v0 =	vld [tilespmem:s24+$0x0]  }
0xf8: {  	v1 =	vld [tilespmem:s24+$0xFFFFFFF0]  }
0xf9: {  	s28 =	sand.u32 $0xFC0, s28;
	v2 =	vld [tilespmem:s24+$0xFFFFFFE0]  }
0xfa: {  	v3 =	vld [tilespmem:s28+$0x1A700];
	_ =	sdelay $0x4  }
0xfb: {  	v4 =	vld.idx.msk [tilespmem:v0+s3+$0x0], $0xffff  }
0xfc: {  	v1 =	vld.idx.msk [tilespmem:v1+s3+$0x0], $0xffff  }
0xfd: {  	v2 =	vld.idx.msk [tilespmem:v2+s3+$0x0], $0xffff  }
0xfe: {  	v0 =	vld.idx.msk [tilespmem:v3+s3+$0x0], $0xffff  }
.Ltmp6:
0xff: {  	(pc) =	sbr.rel @p0 .LBB2_14-.Ltmp6, $4  }
0x100: {  	_ = 	snop  }
0x101: {  	[tilespmem:s25+$0x10] =	vst v4  }
0x102: {  	[tilespmem:s25+$0x0] =	vst v1  }
0x103: {  	[tilespmem:s25+$0xFFFFFFF0] =	vst v2  }
0x104: {  	[tilespmem:s25+$0xFFFFFFE0] =	vst v0  }
0x105: {  	[hbm4b:s12+s16] =	stream.strided.scatter [tilespmem:s19], [sflag:$0x2], $0x1000, s17, s16, $0x38;
	[tilespmem:$0x1E700] =	vst v63  }
0x106: {  	_ =	swait.ge [sflag:s21], $0x1000  }
0x107: {  	[sflag:s21] =	ssyncset.done $0x0  }
0x108: {  	s24 =	simm.s32 $0x1B730;
	[sflag:s21] =	ssyncadd.s32 $0xFFFFF000  }
0x109: {  	v0 =	vld [tilespmem:s24+$0x0]  }
0x10a: {  	s31 =	simm.s32 $0x0;
	v1 =	vld [tilespmem:s24+$0xFFFFFFF0]  }
0x10b: {  	s25 =	sand.u32 $0xFC0, s31;
	v2 =	vld [tilespmem:s24+$0xFFFFFFE0]  }
0x10c: {  	v3 =	vld [tilespmem:s25+$0x1B700];
	_ =	sdelay $0x4  }
0x10d: {  	v4 =	vld.idx.msk [tilespmem:v0+s3+$0x0], $0xffff  }
0x10e: {  	v1 =	vld.idx.msk [tilespmem:v1+s3+$0x0], $0xffff  }
0x10f: {  	v2 =	vld.idx.msk [tilespmem:v2+s3+$0x0], $0xffff  }
0x110: {  	v0 =	vld.idx.msk [tilespmem:v3+s3+$0x0], $0xffff  }
0x111: {  	s25 =	simm.s32 $0x1D720  }
0x112: {  	[tilespmem:s25+$0x10] =	vst v4  }
0x113: {  	[tilespmem:s25+$0x0] =	vst v1  }
0x114: {  	s26 =	simm.s32 $0x40;
	[tilespmem:s25+$0xFFFFFFF0] =	vst v2  }
.LBB2_16:
0x115: {  	p0 =	sne.s32 s26, $0xFC0;
	[tilespmem:s25+$0xFFFFFFE0] =	vst v0;
	s24 =	sadd.s32 $0x40, s24;
	s25 =	sadd.s32 $0x40, s25  }
0x116: {  	s28 =	smov.u32 s26;
	s26 =	sadd.s32 $0x40, s26;
	v0 =	vld [tilespmem:s24+$0x0]  }
0x117: {  	v1 =	vld [tilespmem:s24+$0xFFFFFFF0]  }
0x118: {  	s28 =	sand.u32 $0xFC0, s28;
	v2 =	vld [tilespmem:s24+$0xFFFFFFE0]  }
0x119: {  	v3 =	vld [tilespmem:s28+$0x1B700];
	_ =	sdelay $0x4  }
0x11a: {  	v4 =	vld.idx.msk [tilespmem:v0+s3+$0x0], $0xffff  }
0x11b: {  	v1 =	vld.idx.msk [tilespmem:v1+s3+$0x0], $0xffff  }
0x11c: {  	v2 =	vld.idx.msk [tilespmem:v2+s3+$0x0], $0xffff  }
0x11d: {  	v0 =	vld.idx.msk [tilespmem:v3+s3+$0x0], $0xffff  }
.Ltmp7:
0x11e: {  	(pc) =	sbr.rel @p0 .LBB2_16-.Ltmp7, $4  }
0x11f: {  	_ = 	snop  }
0x120: {  	[tilespmem:s25+$0x10] =	vst v4  }
0x121: {  	[tilespmem:s25+$0x0] =	vst v1  }
0x122: {  	[tilespmem:s25+$0xFFFFFFF0] =	vst v2  }
0x123: {  	[tilespmem:s25+$0xFFFFFFE0] =	vst v0;
	s23 =	sadd.s32 $0x1, s23  }
0x124: {  	[hbm4b:s13+s16] =	stream.strided.scatter [tilespmem:s20], [sflag:$0x2], $0x1000, s17, s16, $0x38;
	[tilespmem:$0x1E700] =	vst v63  }
0x125: {  	p0 =	sne.s32 s23, s14;
	_ =	swait.ge [sflag:s21], $0x1000  }
.Ltmp8:
0x126: {  	[sflag:s21] =	ssyncset.done $0x0;
	(pc) =	sbr.rel @p0 .LBB2_1-.Ltmp8, $4  }
0x127: {  	[sflag:s21] =	ssyncadd.s32 $0xFFFFF000  }
0x128: {  	_ =	swait.ge [sflag:s21], $0x1000  }
0x129: {  	[sflag:s21] =	ssyncset.done $0x0  }
0x12a: {  	[sflag:s21] =	ssyncadd.s32 $0xFFFFF000  }
0x12b: {  	_ =	sfence.sel $0x180000  }
0x12c: {  	[bflag:$0x0] =	sbarrier.arrive $0xFFFF  }
0x12d: {  	p0 =	sne.s32 s2, $0x0;
	_ =	strace $0x90000047  }
0x12e: {  	s0 =	sadd.s32 @!p0 $0x100000, s0;
	[bflag:$0x2] =	sbarrier.arrive $0xFFFF  }
0x12f: {  	[sflag:s0] =	ssyncadd.tile.s32 @!p0 $0x1;
	_ =	shalt  }
.Lfunc_end2:
_tile_overlayer_lowered:
.L_overlay_start_2:
0x130: {  	(tag) =	ssettag $0x2  }
0x131: {  	s0 =	rddreg [dreg:$0x0];
	s2 =	stileid.u32  }
0x132: {  	s1 =	rddreg [dreg:$0x1];
	p0 =	sne.s32 s2, $0x0  }
0x133: {  	s3 =	rddreg [dreg:$0x2];
	[bflag:$0x3] =	sbarrier.arrive $0xFFFF;
	s2 =	simm.s32 @!p0 $0x1C03  }
0x134: {  	[timem:s3], [sflag:s2] =	dma.local @!p0 [hbm:s0], s1  }
0x135: {  	s0 =	simm.s32 @!p0 $0x3  }
0x136: {  	_ =	swait.ge @!p0 [sflag:s0], s1  }
0x137: {  	s1 =	ssub.s32 @!p0 $0x0, s1;
	[sflag:s0] =	ssyncset.done @!p0 $0x0  }
0x138: {  	[sflag:s0] =	ssyncadd.s32 @!p0 s1  }
0x139: {  	[bflag:$0x3] =	sbarrier.arrive $0xFFFF  }
0x13a: {  	_ =	shalt  }

</sc_bundles>
